<compile_context>
chip_gen: v7x
topology: tpu7x:2x2x1
jax: 0.10.2.dev20260603
libtpu: 0.0.44.dev20260713+nightly
codegen_flags: <defaults>
</compile_context>

<pallas_src>
import functools

import jax
import jax.numpy as jnp
from jax import lax
from jax.experimental import pallas as pl
from jax.experimental.pallas import tpu as pltpu
from jax.experimental.pallas import tpu_sc as plsc

_CAPACITY = 100000
_KEY_SIZE = 128
_K = 50
_DELTA = 0.001

_ROWS = 10
_BLK = _CAPACITY // _ROWS

_NC = 2
_NS = 16
_NW = _NC * _NS
_OWN = _CAPACITY // _NW
_PER_W = 3136
_VPW = _PER_W // 16
_UNROLL = 4


def _rowsum_mxu(xs):
    ones = jnp.ones((1, _KEY_SIZE), jnp.bfloat16)
    dims = (((1,), (1,)), ((), ()))

    def dot1(a):
        return lax.dot_general(ones, a, dims,
                               preferred_element_type=jnp.float32)

    a0 = xs.astype(jnp.bfloat16)
    r0 = xs - a0.astype(jnp.float32)
    a1 = r0.astype(jnp.bfloat16)
    r1 = r0 - a1.astype(jnp.float32)
    a2 = r1.astype(jnp.bfloat16)
    return dot1(a0) + dot1(a1) + dot1(a2)


def _tc_body(h_ref, keys_ref, dout_ref, meta_ref, dscr):
    i = pl.program_id(0)
    x = keys_ref[...] - h_ref[...]
    s2 = jnp.maximum(_rowsum_mxu(x * x), 0.0)
    drow = jnp.sqrt(s2)
    dscr[pl.ds(i, 1), :] = drow
    dout_ref[...] = drow[None]

    @pl.when(i == _ROWS - 1)
    def _():
        d = dscr[...]
        db = lax.bitcast_convert_type(d, jnp.int32)

        def _search4(data, mask, target, lo0, hi0, steps):
            def step(_, c):
                lo, hi = c
                span = hi - lo
                q = jnp.maximum(lax.div(span, jnp.int32(4)), jnp.int32(1))
                m1 = lo + q
                m2 = m1 + q
                m3 = m2 + q
                if mask is None:
                    c1 = jnp.sum((data <= m1).astype(jnp.int32))
                    c2 = jnp.sum((data <= m2).astype(jnp.int32))
                    c3 = jnp.sum((data <= m3).astype(jnp.int32))
                else:
                    c1 = jnp.sum((mask & (data <= m1)).astype(jnp.int32))
                    c2 = jnp.sum((mask & (data <= m2)).astype(jnp.int32))
                    c3 = jnp.sum((mask & (data <= m3)).astype(jnp.int32))
                lo2 = jnp.where(c3 < target, m3,
                                jnp.where(c2 < target, m2,
                                          jnp.where(c1 < target, m1, lo)))
                hi2 = jnp.where(c1 >= target, m1,
                                jnp.where(c2 >= target, m2,
                                          jnp.where(c3 >= target, m3, hi)))
                return lo2, hi2

            return lax.fori_loop(0, steps, step, (jnp.int32(lo0),
                                                  jnp.int32(hi0)))[1]

        t_bits = _search4(db, None, _K, -1, 0x7F800000, 18)
        t = lax.bitcast_convert_type(t_bits, jnp.float32)

        mask_eq = d == t
        need = _K - jnp.sum((d < t).astype(jnp.int32))
        n_le = jnp.sum((d <= t).astype(jnp.int32))
        idx = (lax.broadcasted_iota(jnp.int32, (_ROWS, _BLK), 0) * _BLK
               + lax.broadcasted_iota(jnp.int32, (_ROWS, _BLK), 1))

        isteps = jnp.where(n_le == _K, 0, 11)
        p = _search4(idx, mask_eq, need, -1, 2**17 - 1, isteps)

        row = lax.broadcasted_iota(jnp.int32, (2, _KEY_SIZE), 0)
        meta_ref[...] = jnp.where(row == 0, t, p.astype(jnp.float32))


@functools.partial(
    pl.kernel,
    out_type=jax.ShapeDtypeStruct((2 * _NW, 16), jnp.float32),
    mesh=plsc.VectorSubcoreMesh(core_axis_name="c", subcore_axis_name="s"),
    scratch_types=[
        pltpu.VMEM((_PER_W,), jnp.float32),
        pltpu.VMEM((_PER_W,), jnp.float32),
        pltpu.VMEM((16,), jnp.float32),
        pltpu.VMEM((16,), jnp.float32),
        pltpu.VMEM((16,), jnp.float32),
        pltpu.VMEM((16,), jnp.float32),
    ],
)
def _sc_weighted_sum(d_hbm, v_hbm, meta_hbm, out_hbm,
                     d_v, v_v, mt_v, mp_v, wacc, wvacc):
    wid = lax.axis_index("s") * _NC + lax.axis_index("c")
    own_lo = wid * _OWN
    own_hi = own_lo + _OWN
    abase = (own_lo // 16) * 16
    pltpu.sync_copy(d_hbm.at[pl.ds(abase, _PER_W)], d_v)
    pltpu.sync_copy(v_hbm.at[pl.ds(abase, _PER_W)], v_v)
    pltpu.sync_copy(meta_hbm.at[pl.ds(0, 16)], mt_v)
    pltpu.sync_copy(meta_hbm.at[pl.ds(_KEY_SIZE, 16)], mp_v)
    t = mt_v[...]
    p = mp_v[...].astype(jnp.int32)
    wacc[...] = jnp.zeros((16,), jnp.float32)
    wvacc[...] = jnp.zeros((16,), jnp.float32)
    lane = lax.iota(jnp.int32, 16)

    @pl.loop(0, _VPW, step=_UNROLL)
    def _(j):
        for u in range(_UNROLL):
            off = (j + u) * 16
            dv = d_v[pl.ds(off, 16)]
            vv = v_v[pl.ds(off, 16)]
            iv = lane + (abase + off)
            own = (iv >= own_lo) & (iv < own_hi)
            sel = own & ((dv < t) | ((dv == t) & (iv <= p)))
            w = jnp.where(sel, 1.0 / (dv + _DELTA), 0.0)
            wacc[...] = wacc[...] + w
            wvacc[...] = wvacc[...] + w * vv

    pltpu.sync_copy(wacc, out_hbm.at[wid])
    pltpu.sync_copy(wvacc, out_hbm.at[wid + _NW])


def kernel(h, keys, values):
    d_out, meta = pl.pallas_call(
        _tc_body,
        grid=(_ROWS,),
        in_specs=[
            pl.BlockSpec((1, _KEY_SIZE), lambda i: (0, 0)),
            pl.BlockSpec((_BLK, _KEY_SIZE), lambda i: (i, 0)),
        ],
        out_specs=[
            pl.BlockSpec((1, 1, _BLK), lambda i: (i, 0, 0)),
            pl.BlockSpec((2, _KEY_SIZE), lambda i: (0, 0)),
        ],
        out_shape=[
            jax.ShapeDtypeStruct((_ROWS, 1, _BLK), jnp.float32),
            jax.ShapeDtypeStruct((2, _KEY_SIZE), jnp.float32),
        ],
        scratch_shapes=[pltpu.VMEM((_ROWS, _BLK), jnp.float32)],
    )(h[None, :], keys)

    parts = _sc_weighted_sum(d_out.reshape(_CAPACITY), values,
                             meta.reshape(2 * _KEY_SIZE))
    return jnp.sum(parts[_NW:]) / jnp.sum(parts[:_NW])

# --- scband reference (transcript-rebuilt; emitter-appended) ---
"""Pipeline reference for scband-dnd-2156073583338 (READ-ONLY COPY).

The authoritative reference and input builder live on the scoring server;
editing this copy changes nothing except your own understanding.
"""

import jax, jax.numpy as jnp
import numpy as np

CAPACITY = 100000
KEY_SIZE = 128
NEIGHBOURS = 50
DELTA = 0.001


def setup_inputs(seed: int = 0) -> dict:
    key = jax.random.key(seed)
    k1, k2, k3 = jax.random.split(key, 3)
    h = jax.random.normal(k1, (KEY_SIZE,), dtype=jnp.float32)
    # Learned parameters of the DND (torch: self.keys [capacity, key_size], self.values [capacity])
    keys = jax.random.normal(k2, (CAPACITY, KEY_SIZE), dtype=jnp.float32)
    values = jax.random.normal(k3, (CAPACITY,), dtype=jnp.float32)
    return {"h": h, "keys": keys, "values": values}


def reference(h, keys, values):
    # 1. exact knn search: Euclidean distances from h to every key (faiss.knn equivalent)
    dists = jnp.sqrt(jnp.sum((keys - h[None, :]) ** 2, axis=1))
    _, neighbour_idxs = jax.lax.top_k(-dists, NEIGHBOURS)
    # 2. inverse distance kernel on the k nearest keys (Pritzel et al., 2017)
    nn_keys = jnp.take(keys, neighbour_idxs, axis=0)
    d_nn = jnp.sqrt(jnp.sum((nn_keys - h[None, :]) ** 2, axis=1))
    w_i = 1.0 / (d_nn + DELTA)
    w_i = w_i / jnp.sum(w_i)
    # 3. weighted sum of stored values -> Q
    v_i = jnp.take(values, neighbour_idxs, axis=0)
    return jnp.sum(w_i * v_i)

if __name__ == "__main__":
    import jax
    _d = setup_inputs()
    print(jax.jit(kernel)(*tuple(_d.values())))

</pallas_src>

<mosaic_0001>
#map = affine_map<(d0, d1) -> (0)>
#map1 = affine_map<(d0, d1) -> (0, 0)>
module attributes {stable_mosaic.version = 14 : i64} {
  func.func @_sc_weighted_sum(%arg0: i32, %arg1: i32, %arg2: memref<100000xf32, #tpu.memory_space<hbm>>, %arg3: memref<100000xf32, #tpu.memory_space<hbm>>, %arg4: memref<256xf32, #tpu.memory_space<hbm>>, %arg5: memref<64x16xf32, #tpu.memory_space<hbm>>, %arg6: memref<3136xf32, #tpu.memory_space<vmem>>, %arg7: memref<3136xf32, #tpu.memory_space<vmem>>, %arg8: memref<16xf32, #tpu.memory_space<vmem>>, %arg9: memref<16xf32, #tpu.memory_space<vmem>>, %arg10: memref<16xf32, #tpu.memory_space<vmem>>, %arg11: memref<16xf32, #tpu.memory_space<vmem>>) attributes {dimension_semantics = [#tpu.dimension_semantics<core_parallel>, #tpu.dimension_semantics<subcore_parallel>], iteration_bounds = array<i64: 2, 16>, scalar_prefetch = 0 : i64, scratch_operands = 6 : i64, tpu.core_type = #tpu.core_type<sc_vector_subcore>, window_params = [{transform_indices = #map}, {transform_indices = #map}, {transform_indices = #map}, {transform_indices = #map1}]} {
    %mul3A = arith.constant 2 : i32
    %mul3A_0 = arith.muli %arg1, %mul3A : i32
    %add3A = arith.addi %mul3A_0, %arg0 : i32
    %mul3A_1 = arith.constant 3125 : i32
    %mul3A_2 = arith.muli %add3A, %mul3A_1 : i32
    %add3A_3 = arith.constant 3125 : i32
    %add3A_4 = arith.addi %mul3A_2, %add3A_3 : i32
    %jit3A = arith.constant 16 : i32
    %div3A = arith.divsi %mul3A_2, %jit3A : i32
    %sign3A = arith.constant 0 : i32
    %sign3A_5 = arith.cmpi sgt, %mul3A_2, %sign3A : i32
    %sign3A_6 = arith.extui %sign3A_5 : i1 to i32
    %sign3A_7 = arith.constant 0 : i32
    %sign3A_8 = arith.cmpi slt, %mul3A_2, %sign3A_7 : i32
    %sign3A_9 = arith.extui %sign3A_8 : i1 to i32
    %sign3A_10 = arith.subi %sign3A_6, %sign3A_9 : i32
    %sign3A_11 = arith.constant 0 : i32
    %sign3A_12 = arith.cmpi sgt, %jit3A, %sign3A_11 : i32
    %sign3A_13 = arith.extui %sign3A_12 : i1 to i32
    %sign3A_14 = arith.constant 0 : i32
    %sign3A_15 = arith.cmpi slt, %jit3A, %sign3A_14 : i32
    %sign3A_16 = arith.extui %sign3A_15 : i1 to i32
    %sign3A_17 = arith.subi %sign3A_13, %sign3A_16 : i32
    %ne3A = arith.cmpi ne, %sign3A_10, %sign3A_17 : i32
    %rem3A = arith.remsi %mul3A_2, %jit3A : i32
    %ne3A_18 = arith.constant 0 : i32
    %ne3A_19 = arith.cmpi ne, %rem3A, %ne3A_18 : i32
    %and3A = arith.andi %ne3A, %ne3A_19 : i1
    %sub3A = arith.constant 1 : i32
    %sub3A_20 = arith.subi %div3A, %sub3A : i32
    %select_n3A = arith.select %and3A, %sub3A_20, %div3A : i32
    %mul3A_21 = arith.constant 16 : i32
    %mul3A_22 = arith.muli %select_n3A, %mul3A_21 : i32
    "tpu.region"() ({
      %run_scoped3A = tpu.sem_alloc : memref<!tpu.dma_semaphore, #tpu.memory_space<semaphore_mem>>
      %dma_start3A = tpu.memref_slice %arg2[%mul3A_22] : memref<100000xf32, #tpu.memory_space<hbm>> -> memref<3136xf32, #tpu.memory_space<hbm>>
      %dma_start3A_44 = tpu.memref_slice %arg2[%mul3A_22] : memref<100000xf32, #tpu.memory_space<hbm>> -> memref<3136xf32, #tpu.memory_space<hbm>>
      tpu.enqueue_dma source(%dma_start3A_44 : memref<3136xf32, #tpu.memory_space<hbm>>) target(%arg6 : memref<3136xf32, #tpu.memory_space<vmem>>) target_semaphore(%run_scoped3A : memref<!tpu.dma_semaphore, #tpu.memory_space<semaphore_mem>>)
      %dma_wait3A = tpu.memref_slice %arg2[%mul3A_22] : memref<100000xf32, #tpu.memory_space<hbm>> -> memref<3136xf32, #tpu.memory_space<hbm>>
      %dma_wait3A_45 = tpu.memref_slice %arg2[%mul3A_22] : memref<100000xf32, #tpu.memory_space<hbm>> -> memref<3136xf32, #tpu.memory_space<hbm>>
      tpu.wait_dma2 semaphore(%run_scoped3A : memref<!tpu.dma_semaphore, #tpu.memory_space<semaphore_mem>>) src(%dma_wait3A_45 : memref<3136xf32, #tpu.memory_space<hbm>>) dst(%arg6 : memref<3136xf32, #tpu.memory_space<vmem>>)
      tpu.yield
    }) : () -> ()
    "tpu.region"() ({
      %run_scoped3A = tpu.sem_alloc : memref<!tpu.dma_semaphore, #tpu.memory_space<semaphore_mem>>
      %dma_start3A = tpu.memref_slice %arg3[%mul3A_22] : memref<100000xf32, #tpu.memory_space<hbm>> -> memref<3136xf32, #tpu.memory_space<hbm>>
      %dma_start3A_44 = tpu.memref_slice %arg3[%mul3A_22] : memref<100000xf32, #tpu.memory_space<hbm>> -> memref<3136xf32, #tpu.memory_space<hbm>>
      tpu.enqueue_dma source(%dma_start3A_44 : memref<3136xf32, #tpu.memory_space<hbm>>) target(%arg7 : memref<3136xf32, #tpu.memory_space<vmem>>) target_semaphore(%run_scoped3A : memref<!tpu.dma_semaphore, #tpu.memory_space<semaphore_mem>>)
      %dma_wait3A = tpu.memref_slice %arg3[%mul3A_22] : memref<100000xf32, #tpu.memory_space<hbm>> -> memref<3136xf32, #tpu.memory_space<hbm>>
      %dma_wait3A_45 = tpu.memref_slice %arg3[%mul3A_22] : memref<100000xf32, #tpu.memory_space<hbm>> -> memref<3136xf32, #tpu.memory_space<hbm>>
      tpu.wait_dma2 semaphore(%run_scoped3A : memref<!tpu.dma_semaphore, #tpu.memory_space<semaphore_mem>>) src(%dma_wait3A_45 : memref<3136xf32, #tpu.memory_space<hbm>>) dst(%arg7 : memref<3136xf32, #tpu.memory_space<vmem>>)
      tpu.yield
    }) : () -> ()
    "tpu.region"() ({
      %run_scoped3A = tpu.sem_alloc : memref<!tpu.dma_semaphore, #tpu.memory_space<semaphore_mem>>
      %dma_start3A = arith.constant 0 : i32
      %dma_start3A_44 = tpu.memref_slice %arg4[%dma_start3A] : memref<256xf32, #tpu.memory_space<hbm>> -> memref<16xf32, #tpu.memory_space<hbm>>
      %dma_start3A_45 = arith.constant 0 : i32
      %dma_start3A_46 = tpu.memref_slice %arg4[%dma_start3A_45] : memref<256xf32, #tpu.memory_space<hbm>> -> memref<16xf32, #tpu.memory_space<hbm>>
      tpu.enqueue_dma source(%dma_start3A_46 : memref<16xf32, #tpu.memory_space<hbm>>) target(%arg8 : memref<16xf32, #tpu.memory_space<vmem>>) target_semaphore(%run_scoped3A : memref<!tpu.dma_semaphore, #tpu.memory_space<semaphore_mem>>)
      %dma_wait3A = arith.constant 0 : i32
      %dma_wait3A_47 = tpu.memref_slice %arg4[%dma_wait3A] : memref<256xf32, #tpu.memory_space<hbm>> -> memref<16xf32, #tpu.memory_space<hbm>>
      %dma_wait3A_48 = arith.constant 0 : i32
      %dma_wait3A_49 = tpu.memref_slice %arg4[%dma_wait3A_48] : memref<256xf32, #tpu.memory_space<hbm>> -> memref<16xf32, #tpu.memory_space<hbm>>
      tpu.wait_dma2 semaphore(%run_scoped3A : memref<!tpu.dma_semaphore, #tpu.memory_space<semaphore_mem>>) src(%dma_wait3A_49 : memref<16xf32, #tpu.memory_space<hbm>>) dst(%arg8 : memref<16xf32, #tpu.memory_space<vmem>>)
      tpu.yield
    }) : () -> ()
    "tpu.region"() ({
      %run_scoped3A = tpu.sem_alloc : memref<!tpu.dma_semaphore, #tpu.memory_space<semaphore_mem>>
      %dma_start3A = arith.constant 128 : i32
      %dma_start3A_44 = tpu.memref_slice %arg4[%dma_start3A] : memref<256xf32, #tpu.memory_space<hbm>> -> memref<16xf32, #tpu.memory_space<hbm>>
      %dma_start3A_45 = arith.constant 128 : i32
      %dma_start3A_46 = tpu.memref_slice %arg4[%dma_start3A_45] : memref<256xf32, #tpu.memory_space<hbm>> -> memref<16xf32, #tpu.memory_space<hbm>>
      tpu.enqueue_dma source(%dma_start3A_46 : memref<16xf32, #tpu.memory_space<hbm>>) target(%arg9 : memref<16xf32, #tpu.memory_space<vmem>>) target_semaphore(%run_scoped3A : memref<!tpu.dma_semaphore, #tpu.memory_space<semaphore_mem>>)
      %dma_wait3A = arith.constant 128 : i32
      %dma_wait3A_47 = tpu.memref_slice %arg4[%dma_wait3A] : memref<256xf32, #tpu.memory_space<hbm>> -> memref<16xf32, #tpu.memory_space<hbm>>
      %dma_wait3A_48 = arith.constant 128 : i32
      %dma_wait3A_49 = tpu.memref_slice %arg4[%dma_wait3A_48] : memref<256xf32, #tpu.memory_space<hbm>> -> memref<16xf32, #tpu.memory_space<hbm>>
      tpu.wait_dma2 semaphore(%run_scoped3A : memref<!tpu.dma_semaphore, #tpu.memory_space<semaphore_mem>>) src(%dma_wait3A_49 : memref<16xf32, #tpu.memory_space<hbm>>) dst(%arg9 : memref<16xf32, #tpu.memory_space<vmem>>)
      tpu.yield
    }) : () -> ()
    %get3A = arith.constant 0 : index
    %get3A_23 = tpu.vector_load %arg8[%get3A] {strides = array<i32>} : memref<16xf32, #tpu.memory_space<vmem>>, vector<16xf32>,
    %get3A_24 = vector.shape_cast %get3A_23 : vector<16xf32> to vector<16xf32>
    %get3A_25 = arith.constant 0 : index
    %get3A_26 = tpu.vector_load %arg9[%get3A_25] {strides = array<i32>} : memref<16xf32, #tpu.memory_space<vmem>>, vector<16xf32>,
    %get3A_27 = vector.shape_cast %get3A_26 : vector<16xf32> to vector<16xf32>
    %convert_element_type3A = arith.fptosi %get3A_27 : vector<16xf32> to vector<16xi32>
    %broadcast_in_dim3A = arith.constant 0.000000e+00 : f32
    %broadcast_in_dim3A_28 = vector.broadcast %broadcast_in_dim3A : f32 to vector<16xf32>
    %swap3A = arith.constant 0 : index
    %swap3A_29 = tpu.vector_load %arg10[%swap3A] {strides = array<i32>} : memref<16xf32, #tpu.memory_space<vmem>>, vector<16xf32>,
    %swap3A_30 = vector.shape_cast %swap3A_29 : vector<16xf32> to vector<16xf32>
    %swap3A_31 = vector.shape_cast %broadcast_in_dim3A_28 : vector<16xf32> to vector<16xf32>
    tpu.vector_store %arg10[%swap3A], %swap3A_31 {strides = array<i32>} : memref<16xf32, #tpu.memory_space<vmem>>, vector<16xf32>,
    %broadcast_in_dim3A_32 = arith.constant 0.000000e+00 : f32
    %broadcast_in_dim3A_33 = vector.broadcast %broadcast_in_dim3A_32 : f32 to vector<16xf32>
    %swap3A_34 = arith.constant 0 : index
    %swap3A_35 = tpu.vector_load %arg11[%swap3A_34] {strides = array<i32>} : memref<16xf32, #tpu.memory_space<vmem>>, vector<16xf32>,
    %swap3A_36 = vector.shape_cast %swap3A_35 : vector<16xf32> to vector<16xf32>
    %swap3A_37 = vector.shape_cast %broadcast_in_dim3A_33 : vector<16xf32> to vector<16xf32>
    tpu.vector_store %arg11[%swap3A_34], %swap3A_37 {strides = array<i32>} : memref<16xf32, #tpu.memory_space<vmem>>, vector<16xf32>,
    %iota3A = tpu.iota {dimensions = array<i32: 0>} : vector<16xi32>
    %scan3A = arith.constant 0 : i32
    %scan3A_38 = arith.constant 49 : i32
    %scan3A_39 = arith.addi %scan3A, %scan3A_38 : i32
    %scan3A_40 = arith.constant 1 : i32
    scf.for %scan3A_44 = %scan3A to %scan3A_39 step %scan3A_40  : i32 {
      %mul3A_45 = arith.constant 4 : i32
      %mul3A_46 = arith.muli %scan3A_44, %mul3A_45 : i32
      %add3A_47 = arith.constant 0 : i32
      %add3A_48 = arith.addi %add3A_47, %mul3A_46 : i32
      %add3A_49 = arith.constant 0 : i32
      %add3A_50 = arith.addi %add3A_48, %add3A_49 : i32
      %mul3A_51 = arith.constant 16 : i32
      %mul3A_52 = arith.muli %add3A_50, %mul3A_51 : i32
      %get3A_53 = arith.index_cast %mul3A_52 : i32 to index
      %get3A_54 = tpu.vector_load %arg6[%get3A_53] {strides = array<i32>} : memref<3136xf32, #tpu.memory_space<vmem>>, vector<16xf32>,
      %get3A_55 = vector.shape_cast %get3A_54 : vector<16xf32> to vector<16xf32>
      %get3A_56 = arith.index_cast %mul3A_52 : i32 to index
      %get3A_57 = tpu.vector_load %arg7[%get3A_56] {strides = array<i32>} : memref<3136xf32, #tpu.memory_space<vmem>>, vector<16xf32>,
      %get3A_58 = vector.shape_cast %get3A_57 : vector<16xf32> to vector<16xf32>
      %add3A_59 = arith.addi %mul3A_22, %mul3A_52 : i32
      %add3A_60 = vector.broadcast %add3A_59 : i32 to vector<16xi32>
      %add3A_61 = arith.addi %iota3A, %add3A_60 : vector<16xi32>
      %ge3A = vector.broadcast %mul3A_2 : i32 to vector<16xi32>
      %ge3A_62 = arith.cmpi sge, %add3A_61, %ge3A : vector<16xi32>
      %lt3A = vector.broadcast %add3A_4 : i32 to vector<16xi32>
      %lt3A_63 = arith.cmpi slt, %add3A_61, %lt3A : vector<16xi32>
      %and3A_64 = arith.andi %ge3A_62, %lt3A_63 : vector<16xi1>
      %lt3A_65 = arith.cmpf olt, %get3A_55, %get3A_24 : vector<16xf32>
      %eq3A = arith.cmpf oeq, %get3A_55, %get3A_24 : vector<16xf32>
      %le3A = arith.cmpi sle, %add3A_61, %convert_element_type3A : vector<16xi32>
      %and3A_66 = arith.andi %eq3A, %le3A : vector<16xi1>
      %or3A = arith.ori %lt3A_65, %and3A_66 : vector<16xi1>
      %and3A_67 = arith.andi %and3A_64, %or3A : vector<16xi1>
      %add3A_68 = arith.constant 1.000000e-03 : f32
      %add3A_69 = vector.broadcast %add3A_68 : f32 to vector<16xf32>
      %add3A_70 = arith.addf %get3A_55, %add3A_69 : vector<16xf32>
      %div3A_71 = arith.constant 1.000000e+00 : f32
      %div3A_72 = vector.broadcast %div3A_71 : f32 to vector<16xf32>
      %div3A_73 = arith.divf %div3A_72, %add3A_70 : vector<16xf32>
      %jit3A_74 = arith.constant 0.000000e+00 : f32
      %broadcast_in_dim3A_75 = vector.broadcast %jit3A_74 : f32 to vector<16xf32>
      %select_n3A_76 = arith.select %and3A_67, %div3A_73, %broadcast_in_dim3A_75 : vector<16xi1>, vector<16xf32>
      %get3A_77 = arith.constant 0 : index
      %get3A_78 = tpu.vector_load %arg10[%get3A_77] {strides = array<i32>} : memref<16xf32, #tpu.memory_space<vmem>>, vector<16xf32>,
      %get3A_79 = vector.shape_cast %get3A_78 : vector<16xf32> to vector<16xf32>
      %add3A_80 = arith.addf %get3A_79, %select_n3A_76 : vector<16xf32>
      %swap3A_81 = arith.constant 0 : index
      %swap3A_82 = tpu.vector_load %arg10[%swap3A_81] {strides = array<i32>} : memref<16xf32, #tpu.memory_space<vmem>>, vector<16xf32>,
      %swap3A_83 = vector.shape_cast %swap3A_82 : vector<16xf32> to vector<16xf32>
      %swap3A_84 = vector.shape_cast %add3A_80 : vector<16xf32> to vector<16xf32>
      tpu.vector_store %arg10[%swap3A_81], %swap3A_84 {strides = array<i32>} : memref<16xf32, #tpu.memory_space<vmem>>, vector<16xf32>,
      %get3A_85 = arith.constant 0 : index
      %get3A_86 = tpu.vector_load %arg11[%get3A_85] {strides = array<i32>} : memref<16xf32, #tpu.memory_space<vmem>>, vector<16xf32>,
      %get3A_87 = vector.shape_cast %get3A_86 : vector<16xf32> to vector<16xf32>
      %mul3A_88 = arith.mulf %select_n3A_76, %get3A_58 : vector<16xf32>
      %add3A_89 = arith.addf %get3A_87, %mul3A_88 : vector<16xf32>
      %swap3A_90 = arith.constant 0 : index
      %swap3A_91 = tpu.vector_load %arg11[%swap3A_90] {strides = array<i32>} : memref<16xf32, #tpu.memory_space<vmem>>, vector<16xf32>,
      %swap3A_92 = vector.shape_cast %swap3A_91 : vector<16xf32> to vector<16xf32>
      %swap3A_93 = vector.shape_cast %add3A_89 : vector<16xf32> to vector<16xf32>
      tpu.vector_store %arg11[%swap3A_90], %swap3A_93 {strides = array<i32>} : memref<16xf32, #tpu.memory_space<vmem>>, vector<16xf32>,
      %add3A_94 = arith.constant 1 : i32
      %add3A_95 = arith.addi %add3A_48, %add3A_94 : i32
      %mul3A_96 = arith.constant 16 : i32
      %mul3A_97 = arith.muli %add3A_95, %mul3A_96 : i32
      %get3A_98 = arith.index_cast %mul3A_97 : i32 to index
      %get3A_99 = tpu.vector_load %arg6[%get3A_98] {strides = array<i32>} : memref<3136xf32, #tpu.memory_space<vmem>>, vector<16xf32>,
      %get3A_100 = vector.shape_cast %get3A_99 : vector<16xf32> to vector<16xf32>
      %get3A_101 = arith.index_cast %mul3A_97 : i32 to index
      %get3A_102 = tpu.vector_load %arg7[%get3A_101] {strides = array<i32>} : memref<3136xf32, #tpu.memory_space<vmem>>, vector<16xf32>,
      %get3A_103 = vector.shape_cast %get3A_102 : vector<16xf32> to vector<16xf32>
      %add3A_104 = arith.addi %mul3A_22, %mul3A_97 : i32
      %add3A_105 = vector.broadcast %add3A_104 : i32 to vector<16xi32>
      %add3A_106 = arith.addi %iota3A, %add3A_105 : vector<16xi32>
      %ge3A_107 = vector.broadcast %mul3A_2 : i32 to vector<16xi32>
      %ge3A_108 = arith.cmpi sge, %add3A_106, %ge3A_107 : vector<16xi32>
      %lt3A_109 = vector.broadcast %add3A_4 : i32 to vector<16xi32>
      %lt3A_110 = arith.cmpi slt, %add3A_106, %lt3A_109 : vector<16xi32>
      %and3A_111 = arith.andi %ge3A_108, %lt3A_110 : vector<16xi1>
      %lt3A_112 = arith.cmpf olt, %get3A_100, %get3A_24 : vector<16xf32>
      %eq3A_113 = arith.cmpf oeq, %get3A_100, %get3A_24 : vector<16xf32>
      %le3A_114 = arith.cmpi sle, %add3A_106, %convert_element_type3A : vector<16xi32>
      %and3A_115 = arith.andi %eq3A_113, %le3A_114 : vector<16xi1>
      %or3A_116 = arith.ori %lt3A_112, %and3A_115 : vector<16xi1>
      %and3A_117 = arith.andi %and3A_111, %or3A_116 : vector<16xi1>
      %add3A_118 = arith.constant 1.000000e-03 : f32
      %add3A_119 = vector.broadcast %add3A_118 : f32 to vector<16xf32>
      %add3A_120 = arith.addf %get3A_100, %add3A_119 : vector<16xf32>
      %div3A_121 = arith.constant 1.000000e+00 : f32
      %div3A_122 = vector.broadcast %div3A_121 : f32 to vector<16xf32>
      %div3A_123 = arith.divf %div3A_122, %add3A_120 : vector<16xf32>
      %jit3A_124 = arith.constant 0.000000e+00 : f32
      %broadcast_in_dim3A_125 = vector.broadcast %jit3A_124 : f32 to vector<16xf32>
      %select_n3A_126 = arith.select %and3A_117, %div3A_123, %broadcast_in_dim3A_125 : vector<16xi1>, vector<16xf32>
      %get3A_127 = arith.constant 0 : index
      %get3A_128 = tpu.vector_load %arg10[%get3A_127] {strides = array<i32>} : memref<16xf32, #tpu.memory_space<vmem>>, vector<16xf32>,
      %get3A_129 = vector.shape_cast %get3A_128 : vector<16xf32> to vector<16xf32>
      %add3A_130 = arith.addf %get3A_129, %select_n3A_126 : vector<16xf32>
      %swap3A_131 = arith.constant 0 : index
      %swap3A_132 = tpu.vector_load %arg10[%swap3A_131] {strides = array<i32>} : memref<16xf32, #tpu.memory_space<vmem>>, vector<16xf32>,
      %swap3A_133 = vector.shape_cast %swap3A_132 : vector<16xf32> to vector<16xf32>
      %swap3A_134 = vector.shape_cast %add3A_130 : vector<16xf32> to vector<16xf32>
      tpu.vector_store %arg10[%swap3A_131], %swap3A_134 {strides = array<i32>} : memref<16xf32, #tpu.memory_space<vmem>>, vector<16xf32>,
      %get3A_135 = arith.constant 0 : index
      %get3A_136 = tpu.vector_load %arg11[%get3A_135] {strides = array<i32>} : memref<16xf32, #tpu.memory_space<vmem>>, vector<16xf32>,
      %get3A_137 = vector.shape_cast %get3A_136 : vector<16xf32> to vector<16xf32>
      %mul3A_138 = arith.mulf %select_n3A_126, %get3A_103 : vector<16xf32>
      %add3A_139 = arith.addf %get3A_137, %mul3A_138 : vector<16xf32>
      %swap3A_140 = arith.constant 0 : index
      %swap3A_141 = tpu.vector_load %arg11[%swap3A_140] {strides = array<i32>} : memref<16xf32, #tpu.memory_space<vmem>>, vector<16xf32>,
      %swap3A_142 = vector.shape_cast %swap3A_141 : vector<16xf32> to vector<16xf32>
      %swap3A_143 = vector.shape_cast %add3A_139 : vector<16xf32> to vector<16xf32>
      tpu.vector_store %arg11[%swap3A_140], %swap3A_143 {strides = array<i32>} : memref<16xf32, #tpu.memory_space<vmem>>, vector<16xf32>,
      %add3A_144 = arith.constant 2 : i32
      %add3A_145 = arith.addi %add3A_48, %add3A_144 : i32
      %mul3A_146 = arith.constant 16 : i32
      %mul3A_147 = arith.muli %add3A_145, %mul3A_146 : i32
      %get3A_148 = arith.index_cast %mul3A_147 : i32 to index
      %get3A_149 = tpu.vector_load %arg6[%get3A_148] {strides = array<i32>} : memref<3136xf32, #tpu.memory_space<vmem>>, vector<16xf32>,
      %get3A_150 = vector.shape_cast %get3A_149 : vector<16xf32> to vector<16xf32>
      %get3A_151 = arith.index_cast %mul3A_147 : i32 to index
      %get3A_152 = tpu.vector_load %arg7[%get3A_151] {strides = array<i32>} : memref<3136xf32, #tpu.memory_space<vmem>>, vector<16xf32>,
      %get3A_153 = vector.shape_cast %get3A_152 : vector<16xf32> to vector<16xf32>
      %add3A_154 = arith.addi %mul3A_22, %mul3A_147 : i32
      %add3A_155 = vector.broadcast %add3A_154 : i32 to vector<16xi32>
      %add3A_156 = arith.addi %iota3A, %add3A_155 : vector<16xi32>
      %ge3A_157 = vector.broadcast %mul3A_2 : i32 to vector<16xi32>
      %ge3A_158 = arith.cmpi sge, %add3A_156, %ge3A_157 : vector<16xi32>
      %lt3A_159 = vector.broadcast %add3A_4 : i32 to vector<16xi32>
      %lt3A_160 = arith.cmpi slt, %add3A_156, %lt3A_159 : vector<16xi32>
      %and3A_161 = arith.andi %ge3A_158, %lt3A_160 : vector<16xi1>
      %lt3A_162 = arith.cmpf olt, %get3A_150, %get3A_24 : vector<16xf32>
      %eq3A_163 = arith.cmpf oeq, %get3A_150, %get3A_24 : vector<16xf32>
      %le3A_164 = arith.cmpi sle, %add3A_156, %convert_element_type3A : vector<16xi32>
      %and3A_165 = arith.andi %eq3A_163, %le3A_164 : vector<16xi1>
      %or3A_166 = arith.ori %lt3A_162, %and3A_165 : vector<16xi1>
      %and3A_167 = arith.andi %and3A_161, %or3A_166 : vector<16xi1>
      %add3A_168 = arith.constant 1.000000e-03 : f32
      %add3A_169 = vector.broadcast %add3A_168 : f32 to vector<16xf32>
      %add3A_170 = arith.addf %get3A_150, %add3A_169 : vector<16xf32>
      %div3A_171 = arith.constant 1.000000e+00 : f32
      %div3A_172 = vector.broadcast %div3A_171 : f32 to vector<16xf32>
      %div3A_173 = arith.divf %div3A_172, %add3A_170 : vector<16xf32>
      %jit3A_174 = arith.constant 0.000000e+00 : f32
      %broadcast_in_dim3A_175 = vector.broadcast %jit3A_174 : f32 to vector<16xf32>
      %select_n3A_176 = arith.select %and3A_167, %div3A_173, %broadcast_in_dim3A_175 : vector<16xi1>, vector<16xf32>
      %get3A_177 = arith.constant 0 : index
      %get3A_178 = tpu.vector_load %arg10[%get3A_177] {strides = array<i32>} : memref<16xf32, #tpu.memory_space<vmem>>, vector<16xf32>,
      %get3A_179 = vector.shape_cast %get3A_178 : vector<16xf32> to vector<16xf32>
      %add3A_180 = arith.addf %get3A_179, %select_n3A_176 : vector<16xf32>
      %swap3A_181 = arith.constant 0 : index
      %swap3A_182 = tpu.vector_load %arg10[%swap3A_181] {strides = array<i32>} : memref<16xf32, #tpu.memory_space<vmem>>, vector<16xf32>,
      %swap3A_183 = vector.shape_cast %swap3A_182 : vector<16xf32> to vector<16xf32>
      %swap3A_184 = vector.shape_cast %add3A_180 : vector<16xf32> to vector<16xf32>
      tpu.vector_store %arg10[%swap3A_181], %swap3A_184 {strides = array<i32>} : memref<16xf32, #tpu.memory_space<vmem>>, vector<16xf32>,
      %get3A_185 = arith.constant 0 : index
      %get3A_186 = tpu.vector_load %arg11[%get3A_185] {strides = array<i32>} : memref<16xf32, #tpu.memory_space<vmem>>, vector<16xf32>,
      %get3A_187 = vector.shape_cast %get3A_186 : vector<16xf32> to vector<16xf32>
      %mul3A_188 = arith.mulf %select_n3A_176, %get3A_153 : vector<16xf32>
      %add3A_189 = arith.addf %get3A_187, %mul3A_188 : vector<16xf32>
      %swap3A_190 = arith.constant 0 : index
      %swap3A_191 = tpu.vector_load %arg11[%swap3A_190] {strides = array<i32>} : memref<16xf32, #tpu.memory_space<vmem>>, vector<16xf32>,
      %swap3A_192 = vector.shape_cast %swap3A_191 : vector<16xf32> to vector<16xf32>
      %swap3A_193 = vector.shape_cast %add3A_189 : vector<16xf32> to vector<16xf32>
      tpu.vector_store %arg11[%swap3A_190], %swap3A_193 {strides = array<i32>} : memref<16xf32, #tpu.memory_space<vmem>>, vector<16xf32>,
      %add3A_194 = arith.constant 3 : i32
      %add3A_195 = arith.addi %add3A_48, %add3A_194 : i32
      %mul3A_196 = arith.constant 16 : i32
      %mul3A_197 = arith.muli %add3A_195, %mul3A_196 : i32
      %get3A_198 = arith.index_cast %mul3A_197 : i32 to index
      %get3A_199 = tpu.vector_load %arg6[%get3A_198] {strides = array<i32>} : memref<3136xf32, #tpu.memory_space<vmem>>, vector<16xf32>,
      %get3A_200 = vector.shape_cast %get3A_199 : vector<16xf32> to vector<16xf32>
      %get3A_201 = arith.index_cast %mul3A_197 : i32 to index
      %get3A_202 = tpu.vector_load %arg7[%get3A_201] {strides = array<i32>} : memref<3136xf32, #tpu.memory_space<vmem>>, vector<16xf32>,
      %get3A_203 = vector.shape_cast %get3A_202 : vector<16xf32> to vector<16xf32>
      %add3A_204 = arith.addi %mul3A_22, %mul3A_197 : i32
      %add3A_205 = vector.broadcast %add3A_204 : i32 to vector<16xi32>
      %add3A_206 = arith.addi %iota3A, %add3A_205 : vector<16xi32>
      %ge3A_207 = vector.broadcast %mul3A_2 : i32 to vector<16xi32>
      %ge3A_208 = arith.cmpi sge, %add3A_206, %ge3A_207 : vector<16xi32>
      %lt3A_209 = vector.broadcast %add3A_4 : i32 to vector<16xi32>
      %lt3A_210 = arith.cmpi slt, %add3A_206, %lt3A_209 : vector<16xi32>
      %and3A_211 = arith.andi %ge3A_208, %lt3A_210 : vector<16xi1>
      %lt3A_212 = arith.cmpf olt, %get3A_200, %get3A_24 : vector<16xf32>
      %eq3A_213 = arith.cmpf oeq, %get3A_200, %get3A_24 : vector<16xf32>
      %le3A_214 = arith.cmpi sle, %add3A_206, %convert_element_type3A : vector<16xi32>
      %and3A_215 = arith.andi %eq3A_213, %le3A_214 : vector<16xi1>
      %or3A_216 = arith.ori %lt3A_212, %and3A_215 : vector<16xi1>
      %and3A_217 = arith.andi %and3A_211, %or3A_216 : vector<16xi1>
      %add3A_218 = arith.constant 1.000000e-03 : f32
      %add3A_219 = vector.broadcast %add3A_218 : f32 to vector<16xf32>
      %add3A_220 = arith.addf %get3A_200, %add3A_219 : vector<16xf32>
      %div3A_221 = arith.constant 1.000000e+00 : f32
      %div3A_222 = vector.broadcast %div3A_221 : f32 to vector<16xf32>
      %div3A_223 = arith.divf %div3A_222, %add3A_220 : vector<16xf32>
      %jit3A_224 = arith.constant 0.000000e+00 : f32
      %broadcast_in_dim3A_225 = vector.broadcast %jit3A_224 : f32 to vector<16xf32>
      %select_n3A_226 = arith.select %and3A_217, %div3A_223, %broadcast_in_dim3A_225 : vector<16xi1>, vector<16xf32>
      %get3A_227 = arith.constant 0 : index
      %get3A_228 = tpu.vector_load %arg10[%get3A_227] {strides = array<i32>} : memref<16xf32, #tpu.memory_space<vmem>>, vector<16xf32>,
      %get3A_229 = vector.shape_cast %get3A_228 : vector<16xf32> to vector<16xf32>
      %add3A_230 = arith.addf %get3A_229, %select_n3A_226 : vector<16xf32>
      %swap3A_231 = arith.constant 0 : index
      %swap3A_232 = tpu.vector_load %arg10[%swap3A_231] {strides = array<i32>} : memref<16xf32, #tpu.memory_space<vmem>>, vector<16xf32>,
      %swap3A_233 = vector.shape_cast %swap3A_232 : vector<16xf32> to vector<16xf32>
      %swap3A_234 = vector.shape_cast %add3A_230 : vector<16xf32> to vector<16xf32>
      tpu.vector_store %arg10[%swap3A_231], %swap3A_234 {strides = array<i32>} : memref<16xf32, #tpu.memory_space<vmem>>, vector<16xf32>,
      %get3A_235 = arith.constant 0 : index
      %get3A_236 = tpu.vector_load %arg11[%get3A_235] {strides = array<i32>} : memref<16xf32, #tpu.memory_space<vmem>>, vector<16xf32>,
      %get3A_237 = vector.shape_cast %get3A_236 : vector<16xf32> to vector<16xf32>
      %mul3A_238 = arith.mulf %select_n3A_226, %get3A_203 : vector<16xf32>
      %add3A_239 = arith.addf %get3A_237, %mul3A_238 : vector<16xf32>
      %swap3A_240 = arith.constant 0 : index
      %swap3A_241 = tpu.vector_load %arg11[%swap3A_240] {strides = array<i32>} : memref<16xf32, #tpu.memory_space<vmem>>, vector<16xf32>,
      %swap3A_242 = vector.shape_cast %swap3A_241 : vector<16xf32> to vector<16xf32>
      %swap3A_243 = vector.shape_cast %add3A_239 : vector<16xf32> to vector<16xf32>
      tpu.vector_store %arg11[%swap3A_240], %swap3A_243 {strides = array<i32>} : memref<16xf32, #tpu.memory_space<vmem>>, vector<16xf32>,
    }
    %scan3A_41 = arith.constant 49 : i32
    "tpu.region"() ({
      %run_scoped3A = tpu.sem_alloc : memref<!tpu.dma_semaphore, #tpu.memory_space<semaphore_mem>>
      %dma_start3A = arith.constant 0 : i32
      %dma_start3A_44 = tpu.memref_slice %arg5[%add3A, %dma_start3A] : memref<64x16xf32, #tpu.memory_space<hbm>> -> memref<1x16xf32, #tpu.memory_space<hbm>>
      %dma_start3A_45 = tpu.memref_squeeze %dma_start3A_44 : memref<1x16xf32, #tpu.memory_space<hbm>> -> memref<16xf32, #tpu.memory_space<hbm>>
      %dma_start3A_46 = arith.constant 0 : i32
      %dma_start3A_47 = tpu.memref_slice %arg5[%add3A, %dma_start3A_46] : memref<64x16xf32, #tpu.memory_space<hbm>> -> memref<1x16xf32, #tpu.memory_space<hbm>>
      %dma_start3A_48 = tpu.memref_squeeze %dma_start3A_47 : memref<1x16xf32, #tpu.memory_space<hbm>> -> memref<16xf32, #tpu.memory_space<hbm>>
      tpu.enqueue_dma source(%arg10 : memref<16xf32, #tpu.memory_space<vmem>>) target(%dma_start3A_48 : memref<16xf32, #tpu.memory_space<hbm>>) target_semaphore(%run_scoped3A : memref<!tpu.dma_semaphore, #tpu.memory_space<semaphore_mem>>)
      %dma_wait3A = arith.constant 0 : i32
      %dma_wait3A_49 = tpu.memref_slice %arg5[%add3A, %dma_wait3A] : memref<64x16xf32, #tpu.memory_space<hbm>> -> memref<1x16xf32, #tpu.memory_space<hbm>>
      %dma_wait3A_50 = tpu.memref_squeeze %dma_wait3A_49 : memref<1x16xf32, #tpu.memory_space<hbm>> -> memref<16xf32, #tpu.memory_space<hbm>>
      %dma_wait3A_51 = arith.constant 0 : i32
      %dma_wait3A_52 = tpu.memref_slice %arg5[%add3A, %dma_wait3A_51] : memref<64x16xf32, #tpu.memory_space<hbm>> -> memref<1x16xf32, #tpu.memory_space<hbm>>
      %dma_wait3A_53 = tpu.memref_squeeze %dma_wait3A_52 : memref<1x16xf32, #tpu.memory_space<hbm>> -> memref<16xf32, #tpu.memory_space<hbm>>
      tpu.wait_dma2 semaphore(%run_scoped3A : memref<!tpu.dma_semaphore, #tpu.memory_space<semaphore_mem>>) src(%arg10 : memref<16xf32, #tpu.memory_space<vmem>>) dst(%dma_wait3A_53 : memref<16xf32, #tpu.memory_space<hbm>>)
      tpu.yield
    }) : () -> ()
    %add3A_42 = arith.constant 32 : i32
    %add3A_43 = arith.addi %add3A, %add3A_42 : i32
    "tpu.region"() ({
      %run_scoped3A = tpu.sem_alloc : memref<!tpu.dma_semaphore, #tpu.memory_space<semaphore_mem>>
      %dma_start3A = arith.constant 0 : i32
      %dma_start3A_44 = tpu.memref_slice %arg5[%add3A_43, %dma_start3A] : memref<64x16xf32, #tpu.memory_space<hbm>> -> memref<1x16xf32, #tpu.memory_space<hbm>>
      %dma_start3A_45 = tpu.memref_squeeze %dma_start3A_44 : memref<1x16xf32, #tpu.memory_space<hbm>> -> memref<16xf32, #tpu.memory_space<hbm>>
      %dma_start3A_46 = arith.constant 0 : i32
      %dma_start3A_47 = tpu.memref_slice %arg5[%add3A_43, %dma_start3A_46] : memref<64x16xf32, #tpu.memory_space<hbm>> -> memref<1x16xf32, #tpu.memory_space<hbm>>
      %dma_start3A_48 = tpu.memref_squeeze %dma_start3A_47 : memref<1x16xf32, #tpu.memory_space<hbm>> -> memref<16xf32, #tpu.memory_space<hbm>>
      tpu.enqueue_dma source(%arg11 : memref<16xf32, #tpu.memory_space<vmem>>) target(%dma_start3A_48 : memref<16xf32, #tpu.memory_space<hbm>>) target_semaphore(%run_scoped3A : memref<!tpu.dma_semaphore, #tpu.memory_space<semaphore_mem>>)
      %dma_wait3A = arith.constant 0 : i32
      %dma_wait3A_49 = tpu.memref_slice %arg5[%add3A_43, %dma_wait3A] : memref<64x16xf32, #tpu.memory_space<hbm>> -> memref<1x16xf32, #tpu.memory_space<hbm>>
      %dma_wait3A_50 = tpu.memref_squeeze %dma_wait3A_49 : memref<1x16xf32, #tpu.memory_space<hbm>> -> memref<16xf32, #tpu.memory_space<hbm>>
      %dma_wait3A_51 = arith.constant 0 : i32
      %dma_wait3A_52 = tpu.memref_slice %arg5[%add3A_43, %dma_wait3A_51] : memref<64x16xf32, #tpu.memory_space<hbm>> -> memref<1x16xf32, #tpu.memory_space<hbm>>
      %dma_wait3A_53 = tpu.memref_squeeze %dma_wait3A_52 : memref<1x16xf32, #tpu.memory_space<hbm>> -> memref<16xf32, #tpu.memory_space<hbm>>
      tpu.wait_dma2 semaphore(%run_scoped3A : memref<!tpu.dma_semaphore, #tpu.memory_space<semaphore_mem>>) src(%arg11 : memref<16xf32, #tpu.memory_space<vmem>>) dst(%dma_wait3A_53 : memref<16xf32, #tpu.memory_space<hbm>>)
      tpu.yield
    }) : () -> ()
    return
  }
}

module attributes {stable_mosaic.version = 14 : i64} {
  func.func @_tc_body(%arg0: i32, %arg1: memref<1x128xf32, #tpu.memory_space<vmem>>, %arg2: memref<10000x128xf32, #tpu.memory_space<vmem>>, %arg3: memref<1x1x10000xf32, #tpu.memory_space<vmem>>, %arg4: memref<2x128xf32, #tpu.memory_space<vmem>>, %arg5: memref<10x10000xf32, #tpu.memory_space<vmem>>) attributes {dimension_semantics = [#tpu.dimension_semantics<arbitrary>], iteration_bounds = array<i64: 10>, scalar_prefetch = 0 : i64, scratch_operands = 1 : i64, tpu.core_type = #tpu.core_type<tc>, window_params = [{pipeline_mode = #tpu.pipeline_mode<synchronous>, transform_indices = @transform_0, window_bounds = array<i64: 1, 128>}, {transform_indices = @transform_1, window_bounds = array<i64: 10000, 128>}, {transform_indices = @transform_2, window_bounds = array<i64: 1, 1, 10000>}, {pipeline_mode = #tpu.pipeline_mode<synchronous>, transform_indices = @transform_3, window_bounds = array<i64: 2, 128>}]} {
    %get3A = arith.constant 0 : index
    %get3A_0 = arith.constant 0 : index
    %get3A_1 = vector.load %arg2[%get3A, %get3A_0] : memref<10000x128xf32, #tpu.memory_space<vmem>>, vector<10000x128xf32>
    %get3A_2 = arith.constant 0 : index
    %get3A_3 = arith.constant 0 : index
    %get3A_4 = vector.load %arg1[%get3A_2, %get3A_3] : memref<1x128xf32, #tpu.memory_space<vmem>>, vector<1x128xf32>
    %sub3A = vector.broadcast %get3A_4 : vector<1x128xf32> to vector<10000x128xf32>
    %sub3A_5 = arith.subf %get3A_1, %sub3A : vector<10000x128xf32>
    %mul3A = arith.mulf %sub3A_5, %sub3A_5 : vector<10000x128xf32>
    %broadcast_in_dim3A = arith.constant 1.000000e+00 : bf16
    %broadcast_in_dim3A_6 = vector.broadcast %broadcast_in_dim3A : bf16 to vector<1x128xbf16>
    %convert_element_type3A = arith.truncf %mul3A : vector<10000x128xf32> to vector<10000x128xbf16>
    %convert_element_type3A_7 = arith.extf %convert_element_type3A : vector<10000x128xbf16> to vector<10000x128xf32>
    %sub3A_8 = arith.subf %mul3A, %convert_element_type3A_7 : vector<10000x128xf32>
    %convert_element_type3A_9 = arith.truncf %sub3A_8 : vector<10000x128xf32> to vector<10000x128xbf16>
    %convert_element_type3A_10 = arith.extf %convert_element_type3A_9 : vector<10000x128xbf16> to vector<10000x128xf32>
    %sub3A_11 = arith.subf %sub3A_8, %convert_element_type3A_10 : vector<10000x128xf32>
    %convert_element_type3A_12 = arith.truncf %sub3A_11 : vector<10000x128xf32> to vector<10000x128xbf16>
    %dot_general3A = arith.constant dense<0.000000e+00> : vector<1x10000xf32>
    %dot_general3A_13 = tpu.matmul %broadcast_in_dim3A_6, %convert_element_type3A, %dot_general3A {dimension_numbers = #tpu.dot_dimension_numbers<[1], [1], [0], [0], [0, 0, 1, 0], [], []>, transpose_lhs_hint = false} : vector<1x128xbf16>, vector<10000x128xbf16>, vector<1x10000xf32> -> vector<1x10000xf32>
    %dot_general3A_14 = arith.constant dense<0.000000e+00> : vector<1x10000xf32>
    %dot_general3A_15 = tpu.matmul %broadcast_in_dim3A_6, %convert_element_type3A_9, %dot_general3A_14 {dimension_numbers = #tpu.dot_dimension_numbers<[1], [1], [0], [0], [0, 0, 1, 0], [], []>, transpose_lhs_hint = false} : vector<1x128xbf16>, vector<10000x128xbf16>, vector<1x10000xf32> -> vector<1x10000xf32>
    %add3A = arith.addf %dot_general3A_13, %dot_general3A_15 : vector<1x10000xf32>
    %dot_general3A_16 = arith.constant dense<0.000000e+00> : vector<1x10000xf32>
    %dot_general3A_17 = tpu.matmul %broadcast_in_dim3A_6, %convert_element_type3A_12, %dot_general3A_16 {dimension_numbers = #tpu.dot_dimension_numbers<[1], [1], [0], [0], [0, 0, 1, 0], [], []>, transpose_lhs_hint = false} : vector<1x128xbf16>, vector<10000x128xbf16>, vector<1x10000xf32> -> vector<1x10000xf32>
    %add3A_18 = arith.addf %add3A, %dot_general3A_17 : vector<1x10000xf32>
    %max3A = arith.constant 0.000000e+00 : f32
    %max3A_19 = vector.broadcast %max3A : f32 to vector<1x10000xf32>
    %max3A_20 = arith.maximumf %add3A_18, %max3A_19 : vector<1x10000xf32>
    %sqrt3A = math.sqrt %max3A_20 : vector<1x10000xf32>
    %swap3A = arith.index_cast %arg0 : i32 to index
    %swap3A_21 = arith.constant 0 : index
    %swap3A_22 = vector.load %arg5[%swap3A, %swap3A_21] : memref<10x10000xf32, #tpu.memory_space<vmem>>, vector<1x10000xf32>
    tpu.vector_store %arg5[%swap3A, %swap3A_21], %sqrt3A {strides = array<i32>} : memref<10x10000xf32, #tpu.memory_space<vmem>>, vector<1x10000xf32>,
    %broadcast_in_dim3A_23 = vector.shape_cast %sqrt3A : vector<1x10000xf32> to vector<1x1x10000xf32>
    %swap3A_24 = arith.constant 0 : index
    %swap3A_25 = arith.constant 0 : index
    %swap3A_26 = arith.constant 0 : index
    %swap3A_27 = vector.load %arg3[%swap3A_24, %swap3A_25, %swap3A_26] : memref<1x1x10000xf32, #tpu.memory_space<vmem>>, vector<1x1x10000xf32>
    tpu.vector_store %arg3[%swap3A_24, %swap3A_25, %swap3A_26], %broadcast_in_dim3A_23 {strides = array<i32>} : memref<1x1x10000xf32, #tpu.memory_space<vmem>>, vector<1x1x10000xf32>,
    %eq3A = arith.constant 9 : i32
    %eq3A_28 = arith.cmpi eq, %arg0, %eq3A : i32
    %convert_element_type3A_29 = arith.extui %eq3A_28 : i1 to i32
    %cond3A = arith.constant 0 : i32
    %cond3A_30 = arith.cmpi ne, %convert_element_type3A_29, %cond3A : i32
    scf.if %cond3A_30 {
      %get3A_31 = arith.constant 0 : index
      %get3A_32 = arith.constant 0 : index
      %get3A_33 = vector.load %arg5[%get3A_31, %get3A_32] : memref<10x10000xf32, #tpu.memory_space<vmem>>, vector<10x10000xf32>
      %bitcast_convert_type3A = tpu.bitcast %get3A_33 : vector<10x10000xf32> -> vector<10x10000xi32>
      %scan3A = arith.constant -1 : i32
      %scan3A_34 = arith.constant 2139095040 : i32
      %scan3A_35 = arith.constant 0 : i32
      %scan3A_36 = arith.constant 18 : i32
      %scan3A_37 = arith.addi %scan3A_35, %scan3A_36 : i32
      %scan3A_38 = arith.constant 1 : i32
      %scan3A_39:2 = scf.for %scan3A_89 = %scan3A_35 to %scan3A_37 step %scan3A_38 iter_args(%scan3A_90 = %scan3A, %scan3A_91 = %scan3A_34) -> (i32, i32)  : i32 {
        %sub3A_92 = arith.subi %scan3A_91, %scan3A_90 : i32
        %div3A = arith.constant 4 : i32
        %div3A_93 = arith.divsi %sub3A_92, %div3A : i32
        %max3A_94 = arith.constant 1 : i32
        %max3A_95 = arith.maxsi %div3A_93, %max3A_94 : i32
        %add3A_96 = arith.addi %scan3A_90, %max3A_95 : i32
        %add3A_97 = arith.addi %add3A_96, %max3A_95 : i32
        %add3A_98 = arith.addi %add3A_97, %max3A_95 : i32
        %le3A_99 = vector.broadcast %add3A_96 : i32 to vector<10x10000xi32>
        %le3A_100 = arith.cmpi sle, %bitcast_convert_type3A, %le3A_99 : vector<10x10000xi32>
        %convert_element_type3A_101 = arith.extui %le3A_100 : vector<10x10000xi1> to vector<10x10000xi32>
        %reduce_sum3A_102 = vector.shape_cast %convert_element_type3A_101 : vector<10x10000xi32> to vector<1x10x10000xi32>
        %reduce_sum3A_103 = arith.constant dense<0> : vector<1xi32>
        %reduce_sum3A_104 = vector.multi_reduction <add>, %reduce_sum3A_102, %reduce_sum3A_103 [1, 2] : vector<1x10x10000xi32> to vector<1xi32>
        %reduce_sum3A_105 = vector.shape_cast %reduce_sum3A_104 : vector<1xi32> to vector<1x1x1xi32>
        %reduce_sum3A_106 = vector.extract %reduce_sum3A_105[0, 0, 0] : i32 from vector<1x1x1xi32>
        %le3A_107 = vector.broadcast %add3A_97 : i32 to vector<10x10000xi32>
        %le3A_108 = arith.cmpi sle, %bitcast_convert_type3A, %le3A_107 : vector<10x10000xi32>
        %convert_element_type3A_109 = arith.extui %le3A_108 : vector<10x10000xi1> to vector<10x10000xi32>
        %reduce_sum3A_110 = vector.shape_cast %convert_element_type3A_109 : vector<10x10000xi32> to vector<1x10x10000xi32>
        %reduce_sum3A_111 = arith.constant dense<0> : vector<1xi32>
        %reduce_sum3A_112 = vector.multi_reduction <add>, %reduce_sum3A_110, %reduce_sum3A_111 [1, 2] : vector<1x10x10000xi32> to vector<1xi32>
        %reduce_sum3A_113 = vector.shape_cast %reduce_sum3A_112 : vector<1xi32> to vector<1x1x1xi32>
        %reduce_sum3A_114 = vector.extract %reduce_sum3A_113[0, 0, 0] : i32 from vector<1x1x1xi32>
        %le3A_115 = vector.broadcast %add3A_98 : i32 to vector<10x10000xi32>
        %le3A_116 = arith.cmpi sle, %bitcast_convert_type3A, %le3A_115 : vector<10x10000xi32>
        %convert_element_type3A_117 = arith.extui %le3A_116 : vector<10x10000xi1> to vector<10x10000xi32>
        %reduce_sum3A_118 = vector.shape_cast %convert_element_type3A_117 : vector<10x10000xi32> to vector<1x10x10000xi32>
        %reduce_sum3A_119 = arith.constant dense<0> : vector<1xi32>
        %reduce_sum3A_120 = vector.multi_reduction <add>, %reduce_sum3A_118, %reduce_sum3A_119 [1, 2] : vector<1x10x10000xi32> to vector<1xi32>
        %reduce_sum3A_121 = vector.shape_cast %reduce_sum3A_120 : vector<1xi32> to vector<1x1x1xi32>
        %reduce_sum3A_122 = vector.extract %reduce_sum3A_121[0, 0, 0] : i32 from vector<1x1x1xi32>
        %lt3A_123 = arith.constant 50 : i32
        %lt3A_124 = arith.cmpi slt, %reduce_sum3A_122, %lt3A_123 : i32
        %lt3A_125 = arith.constant 50 : i32
        %lt3A_126 = arith.cmpi slt, %reduce_sum3A_114, %lt3A_125 : i32
        %lt3A_127 = arith.constant 50 : i32
        %lt3A_128 = arith.cmpi slt, %reduce_sum3A_106, %lt3A_127 : i32
        %select_n3A_129 = arith.select %lt3A_128, %add3A_96, %scan3A_90 : i32
        %select_n3A_130 = arith.select %lt3A_126, %add3A_97, %select_n3A_129 : i32
        %select_n3A_131 = arith.select %lt3A_124, %add3A_98, %select_n3A_130 : i32
        %ge3A = arith.constant 50 : i32
        %ge3A_132 = arith.cmpi sge, %reduce_sum3A_106, %ge3A : i32
        %ge3A_133 = arith.constant 50 : i32
        %ge3A_134 = arith.cmpi sge, %reduce_sum3A_114, %ge3A_133 : i32
        %ge3A_135 = arith.constant 50 : i32
        %ge3A_136 = arith.cmpi sge, %reduce_sum3A_122, %ge3A_135 : i32
        %select_n3A_137 = arith.select %ge3A_136, %add3A_98, %scan3A_91 : i32
        %select_n3A_138 = arith.select %ge3A_134, %add3A_97, %select_n3A_137 : i32
        %select_n3A_139 = arith.select %ge3A_132, %add3A_96, %select_n3A_138 : i32
        scf.yield %select_n3A_131, %select_n3A_139 : i32, i32
      }
      %bitcast_convert_type3A_40 = arith.bitcast %scan3A_39#1 : i32 to f32
      %eq3A_41 = vector.broadcast %bitcast_convert_type3A_40 : f32 to vector<10x10000xf32>
      %eq3A_42 = arith.cmpf oeq, %get3A_33, %eq3A_41 : vector<10x10000xf32>
      %lt3A = vector.broadcast %bitcast_convert_type3A_40 : f32 to vector<10x10000xf32>
      %lt3A_43 = arith.cmpf olt, %get3A_33, %lt3A : vector<10x10000xf32>
      %convert_element_type3A_44 = arith.extui %lt3A_43 : vector<10x10000xi1> to vector<10x10000xi32>
      %reduce_sum3A = vector.shape_cast %convert_element_type3A_44 : vector<10x10000xi32> to vector<1x10x10000xi32>
      %reduce_sum3A_45 = arith.constant dense<0> : vector<1xi32>
      %reduce_sum3A_46 = vector.multi_reduction <add>, %reduce_sum3A, %reduce_sum3A_45 [1, 2] : vector<1x10x10000xi32> to vector<1xi32>
      %reduce_sum3A_47 = vector.shape_cast %reduce_sum3A_46 : vector<1xi32> to vector<1x1x1xi32>
      %reduce_sum3A_48 = vector.extract %reduce_sum3A_47[0, 0, 0] : i32 from vector<1x1x1xi32>
      %sub3A_49 = arith.constant 50 : i32
      %sub3A_50 = arith.subi %sub3A_49, %reduce_sum3A_48 : i32
      %le3A = vector.broadcast %bitcast_convert_type3A_40 : f32 to vector<10x10000xf32>
      %le3A_51 = arith.cmpf ole, %get3A_33, %le3A : vector<10x10000xf32>
      %convert_element_type3A_52 = arith.extui %le3A_51 : vector<10x10000xi1> to vector<10x10000xi32>
      %reduce_sum3A_53 = vector.shape_cast %convert_element_type3A_52 : vector<10x10000xi32> to vector<1x10x10000xi32>
      %reduce_sum3A_54 = arith.constant dense<0> : vector<1xi32>
      %reduce_sum3A_55 = vector.multi_reduction <add>, %reduce_sum3A_53, %reduce_sum3A_54 [1, 2] : vector<1x10x10000xi32> to vector<1xi32>
      %reduce_sum3A_56 = vector.shape_cast %reduce_sum3A_55 : vector<1xi32> to vector<1x1x1xi32>
      %reduce_sum3A_57 = vector.extract %reduce_sum3A_56[0, 0, 0] : i32 from vector<1x1x1xi32>
      %iota3A = tpu.iota {dimensions = array<i32: 0>} : vector<10x10000xi32>
      %mul3A_58 = arith.constant 10000 : i32
      %mul3A_59 = vector.broadcast %mul3A_58 : i32 to vector<10x10000xi32>
      %mul3A_60 = arith.muli %iota3A, %mul3A_59 : vector<10x10000xi32>
      %iota3A_61 = tpu.iota {dimensions = array<i32: 1>} : vector<10x10000xi32>
      %add3A_62 = arith.addi %mul3A_60, %iota3A_61 : vector<10x10000xi32>
      %eq3A_63 = arith.constant 50 : i32
      %eq3A_64 = arith.cmpi eq, %reduce_sum3A_57, %eq3A_63 : i32
      %jit3A = arith.constant 0 : i32
      %jit3A_65 = arith.constant 11 : i32
      %select_n3A = arith.select %eq3A_64, %jit3A, %jit3A_65 : i32
      %while3A = arith.constant 0 : i32
      %while3A_66 = arith.constant -1 : i32
      %while3A_67 = arith.constant 131071 : i32
      %while3A_68 = arith.subi %select_n3A, %while3A : i32
      %while3A_69 = arith.addi %while3A, %while3A_68 : i32
      %while3A_70 = arith.constant 1 : i32
      %while3A_71 = arith.divsi %while3A_68, %while3A_70 : i32
      %while3A_72 = arith.muli %while3A_71, %while3A_70 : i32
      %while3A_73 = arith.addi %while3A, %while3A_72 : i32
      %while3A_74 = arith.constant 1 : i32
      %while3A_75:2 = scf.for %while3A_89 = %while3A to %while3A_73 step %while3A_74 iter_args(%while3A_90 = %while3A_66, %while3A_91 = %while3A_67) -> (i32, i32)  : i32 {
        %sub3A_92 = arith.subi %while3A_91, %while3A_90 : i32
        %div3A = arith.constant 4 : i32
        %div3A_93 = arith.divsi %sub3A_92, %div3A : i32
        %max3A_94 = arith.constant 1 : i32
        %max3A_95 = arith.maxsi %div3A_93, %max3A_94 : i32
        %add3A_96 = arith.addi %while3A_90, %max3A_95 : i32
        %add3A_97 = arith.addi %add3A_96, %max3A_95 : i32
        %add3A_98 = arith.addi %add3A_97, %max3A_95 : i32
        %le3A_99 = vector.broadcast %add3A_96 : i32 to vector<10x10000xi32>
        %le3A_100 = arith.cmpi sle, %add3A_62, %le3A_99 : vector<10x10000xi32>
        %and3A = arith.andi %eq3A_42, %le3A_100 : vector<10x10000xi1>
        %convert_element_type3A_101 = arith.extui %and3A : vector<10x10000xi1> to vector<10x10000xi32>
        %reduce_sum3A_102 = vector.shape_cast %convert_element_type3A_101 : vector<10x10000xi32> to vector<1x10x10000xi32>
        %reduce_sum3A_103 = arith.constant dense<0> : vector<1xi32>
        %reduce_sum3A_104 = vector.multi_reduction <add>, %reduce_sum3A_102, %reduce_sum3A_103 [1, 2] : vector<1x10x10000xi32> to vector<1xi32>
        %reduce_sum3A_105 = vector.shape_cast %reduce_sum3A_104 : vector<1xi32> to vector<1x1x1xi32>
        %reduce_sum3A_106 = vector.extract %reduce_sum3A_105[0, 0, 0] : i32 from vector<1x1x1xi32>
        %le3A_107 = vector.broadcast %add3A_97 : i32 to vector<10x10000xi32>
        %le3A_108 = arith.cmpi sle, %add3A_62, %le3A_107 : vector<10x10000xi32>
        %and3A_109 = arith.andi %eq3A_42, %le3A_108 : vector<10x10000xi1>
        %convert_element_type3A_110 = arith.extui %and3A_109 : vector<10x10000xi1> to vector<10x10000xi32>
        %reduce_sum3A_111 = vector.shape_cast %convert_element_type3A_110 : vector<10x10000xi32> to vector<1x10x10000xi32>
        %reduce_sum3A_112 = arith.constant dense<0> : vector<1xi32>
        %reduce_sum3A_113 = vector.multi_reduction <add>, %reduce_sum3A_111, %reduce_sum3A_112 [1, 2] : vector<1x10x10000xi32> to vector<1xi32>
        %reduce_sum3A_114 = vector.shape_cast %reduce_sum3A_113 : vector<1xi32> to vector<1x1x1xi32>
        %reduce_sum3A_115 = vector.extract %reduce_sum3A_114[0, 0, 0] : i32 from vector<1x1x1xi32>
        %le3A_116 = vector.broadcast %add3A_98 : i32 to vector<10x10000xi32>
        %le3A_117 = arith.cmpi sle, %add3A_62, %le3A_116 : vector<10x10000xi32>
        %and3A_118 = arith.andi %eq3A_42, %le3A_117 : vector<10x10000xi1>
        %convert_element_type3A_119 = arith.extui %and3A_118 : vector<10x10000xi1> to vector<10x10000xi32>
        %reduce_sum3A_120 = vector.shape_cast %convert_element_type3A_119 : vector<10x10000xi32> to vector<1x10x10000xi32>
        %reduce_sum3A_121 = arith.constant dense<0> : vector<1xi32>
        %reduce_sum3A_122 = vector.multi_reduction <add>, %reduce_sum3A_120, %reduce_sum3A_121 [1, 2] : vector<1x10x10000xi32> to vector<1xi32>
        %reduce_sum3A_123 = vector.shape_cast %reduce_sum3A_122 : vector<1xi32> to vector<1x1x1xi32>
        %reduce_sum3A_124 = vector.extract %reduce_sum3A_123[0, 0, 0] : i32 from vector<1x1x1xi32>
        %lt3A_125 = arith.cmpi slt, %reduce_sum3A_124, %sub3A_50 : i32
        %lt3A_126 = arith.cmpi slt, %reduce_sum3A_115, %sub3A_50 : i32
        %lt3A_127 = arith.cmpi slt, %reduce_sum3A_106, %sub3A_50 : i32
        %select_n3A_128 = arith.select %lt3A_127, %add3A_96, %while3A_90 : i32
        %select_n3A_129 = arith.select %lt3A_126, %add3A_97, %select_n3A_128 : i32
        %select_n3A_130 = arith.select %lt3A_125, %add3A_98, %select_n3A_129 : i32
        %ge3A = arith.cmpi sge, %reduce_sum3A_106, %sub3A_50 : i32
        %ge3A_131 = arith.cmpi sge, %reduce_sum3A_115, %sub3A_50 : i32
        %ge3A_132 = arith.cmpi sge, %reduce_sum3A_124, %sub3A_50 : i32
        %select_n3A_133 = arith.select %ge3A_132, %add3A_98, %while3A_91 : i32
        %select_n3A_134 = arith.select %ge3A_131, %add3A_97, %select_n3A_133 : i32
        %select_n3A_135 = arith.select %ge3A, %add3A_96, %select_n3A_134 : i32
        scf.yield %select_n3A_130, %select_n3A_135 : i32, i32
      }
      %while3A_76 = arith.constant 1 : i32
      %while3A_77:2 = scf.for %while3A_89 = %while3A_73 to %while3A_69 step %while3A_76 iter_args(%while3A_90 = %while3A_75#0, %while3A_91 = %while3A_75#1) -> (i32, i32)  : i32 {
        %sub3A_92 = arith.subi %while3A_91, %while3A_90 : i32
        %div3A = arith.constant 4 : i32
        %div3A_93 = arith.divsi %sub3A_92, %div3A : i32
        %max3A_94 = arith.constant 1 : i32
        %max3A_95 = arith.maxsi %div3A_93, %max3A_94 : i32
        %add3A_96 = arith.addi %while3A_90, %max3A_95 : i32
        %add3A_97 = arith.addi %add3A_96, %max3A_95 : i32
        %add3A_98 = arith.addi %add3A_97, %max3A_95 : i32
        %le3A_99 = vector.broadcast %add3A_96 : i32 to vector<10x10000xi32>
        %le3A_100 = arith.cmpi sle, %add3A_62, %le3A_99 : vector<10x10000xi32>
        %and3A = arith.andi %eq3A_42, %le3A_100 : vector<10x10000xi1>
        %convert_element_type3A_101 = arith.extui %and3A : vector<10x10000xi1> to vector<10x10000xi32>
        %reduce_sum3A_102 = vector.shape_cast %convert_element_type3A_101 : vector<10x10000xi32> to vector<1x10x10000xi32>
        %reduce_sum3A_103 = arith.constant dense<0> : vector<1xi32>
        %reduce_sum3A_104 = vector.multi_reduction <add>, %reduce_sum3A_102, %reduce_sum3A_103 [1, 2] : vector<1x10x10000xi32> to vector<1xi32>
        %reduce_sum3A_105 = vector.shape_cast %reduce_sum3A_104 : vector<1xi32> to vector<1x1x1xi32>
        %reduce_sum3A_106 = vector.extract %reduce_sum3A_105[0, 0, 0] : i32 from vector<1x1x1xi32>
        %le3A_107 = vector.broadcast %add3A_97 : i32 to vector<10x10000xi32>
        %le3A_108 = arith.cmpi sle, %add3A_62, %le3A_107 : vector<10x10000xi32>
        %and3A_109 = arith.andi %eq3A_42, %le3A_108 : vector<10x10000xi1>
        %convert_element_type3A_110 = arith.extui %and3A_109 : vector<10x10000xi1> to vector<10x10000xi32>
        %reduce_sum3A_111 = vector.shape_cast %convert_element_type3A_110 : vector<10x10000xi32> to vector<1x10x10000xi32>
        %reduce_sum3A_112 = arith.constant dense<0> : vector<1xi32>
        %reduce_sum3A_113 = vector.multi_reduction <add>, %reduce_sum3A_111, %reduce_sum3A_112 [1, 2] : vector<1x10x10000xi32> to vector<1xi32>
        %reduce_sum3A_114 = vector.shape_cast %reduce_sum3A_113 : vector<1xi32> to vector<1x1x1xi32>
        %reduce_sum3A_115 = vector.extract %reduce_sum3A_114[0, 0, 0] : i32 from vector<1x1x1xi32>
        %le3A_116 = vector.broadcast %add3A_98 : i32 to vector<10x10000xi32>
        %le3A_117 = arith.cmpi sle, %add3A_62, %le3A_116 : vector<10x10000xi32>
        %and3A_118 = arith.andi %eq3A_42, %le3A_117 : vector<10x10000xi1>
        %convert_element_type3A_119 = arith.extui %and3A_118 : vector<10x10000xi1> to vector<10x10000xi32>
        %reduce_sum3A_120 = vector.shape_cast %convert_element_type3A_119 : vector<10x10000xi32> to vector<1x10x10000xi32>
        %reduce_sum3A_121 = arith.constant dense<0> : vector<1xi32>
        %reduce_sum3A_122 = vector.multi_reduction <add>, %reduce_sum3A_120, %reduce_sum3A_121 [1, 2] : vector<1x10x10000xi32> to vector<1xi32>
        %reduce_sum3A_123 = vector.shape_cast %reduce_sum3A_122 : vector<1xi32> to vector<1x1x1xi32>
        %reduce_sum3A_124 = vector.extract %reduce_sum3A_123[0, 0, 0] : i32 from vector<1x1x1xi32>
        %lt3A_125 = arith.cmpi slt, %reduce_sum3A_124, %sub3A_50 : i32
        %lt3A_126 = arith.cmpi slt, %reduce_sum3A_115, %sub3A_50 : i32
        %lt3A_127 = arith.cmpi slt, %reduce_sum3A_106, %sub3A_50 : i32
        %select_n3A_128 = arith.select %lt3A_127, %add3A_96, %while3A_90 : i32
        %select_n3A_129 = arith.select %lt3A_126, %add3A_97, %select_n3A_128 : i32
        %select_n3A_130 = arith.select %lt3A_125, %add3A_98, %select_n3A_129 : i32
        %ge3A = arith.cmpi sge, %reduce_sum3A_106, %sub3A_50 : i32
        %ge3A_131 = arith.cmpi sge, %reduce_sum3A_115, %sub3A_50 : i32
        %ge3A_132 = arith.cmpi sge, %reduce_sum3A_124, %sub3A_50 : i32
        %select_n3A_133 = arith.select %ge3A_132, %add3A_98, %while3A_91 : i32
        %select_n3A_134 = arith.select %ge3A_131, %add3A_97, %select_n3A_133 : i32
        %select_n3A_135 = arith.select %ge3A, %add3A_96, %select_n3A_134 : i32
        scf.yield %select_n3A_130, %select_n3A_135 : i32, i32
      }
      %iota3A_78 = tpu.iota {dimensions = array<i32: 0>} : vector<2x128xi32>
      %eq3A_79 = arith.constant 0 : i32
      %eq3A_80 = vector.broadcast %eq3A_79 : i32 to vector<2x128xi32>
      %eq3A_81 = arith.cmpi eq, %iota3A_78, %eq3A_80 : vector<2x128xi32>
      %convert_element_type3A_82 = arith.sitofp %while3A_77#1 : i32 to f32
      %broadcast_in_dim3A_83 = vector.broadcast %bitcast_convert_type3A_40 : f32 to vector<2x128xf32>
      %broadcast_in_dim3A_84 = vector.broadcast %convert_element_type3A_82 : f32 to vector<2x128xf32>
      %select_n3A_85 = arith.select %eq3A_81, %broadcast_in_dim3A_83, %broadcast_in_dim3A_84 : vector<2x128xi1>, vector<2x128xf32>
      %swap3A_86 = arith.constant 0 : index
      %swap3A_87 = arith.constant 0 : index
      %swap3A_88 = vector.load %arg4[%swap3A_86, %swap3A_87] : memref<2x128xf32, #tpu.memory_space<vmem>>, vector<2x128xf32>
      tpu.vector_store %arg4[%swap3A_86, %swap3A_87], %select_n3A_85 {strides = array<i32>} : memref<2x128xf32, #tpu.memory_space<vmem>>, vector<2x128xf32>,
    } else {
    }
    return
  }
  func.func @transform_0(%arg0: i32) -> (i32, i32) {
    %c0_i32 = arith.constant 0 : i32
    %c0_i32_0 = arith.constant 0 : i32
    %c0_i32_1 = arith.constant 0 : i32
    return %c0_i32, %c0_i32_0 : i32, i32
  }
  func.func @transform_1(%arg0: i32) -> (i32, i32) {
    %c0_i32 = arith.constant 0 : i32
    %c0_i32_0 = arith.constant 0 : i32
    return %arg0, %c0_i32 : i32, i32
  }
  func.func @transform_2(%arg0: i32) -> (i32, i32, i32) {
    %c0_i32 = arith.constant 0 : i32
    %c0_i32_0 = arith.constant 0 : i32
    %c0_i32_1 = arith.constant 0 : i32
    return %arg0, %c0_i32, %c0_i32_0 : i32, i32, i32
  }
  func.func @transform_3(%arg0: i32) -> (i32, i32) {
    %c0_i32 = arith.constant 0 : i32
    %c0_i32_0 = arith.constant 0 : i32
    %c0_i32_1 = arith.constant 0 : i32
    return %c0_i32, %c0_i32_0 : i32, i32
  }
}

</mosaic_0001>

<sc_bundles>
// kernel: kernel.4.cloned.1.call-start
scs
__scs_entry_jumppad:
0x0: {  	(pc) =	sbr.rel $0x88, $3  }
0x1: {  	(tag) =	ssettag $0x0;
	lr =	simm.s32 $0x1  }
0x2: {  	[smem:$0x3F9E] =	sst lr;
	_ =	strace $0xD0000000  }
0x3: {  	_ = 	snop  }
0x4: {  	_ = 	snop  }
0x5: {  	_ = 	snop  }
0x6: {  	_ = 	snop  }
0x7: {  	_ = 	snop  }
__scs_overlays_trampoline_lowered:
0x8: {  	[smem:$0x3FAD] =	sst s0  }
0x9: {  	[smem:$0x3FAE] =	sst s1  }
0xa: {  	[smem:$0x3FAF] =	sst s2  }
0xb: {  	[smem:$0x3FB0] =	sst s3  }
0xc: {  	[smem:$0x3FB1] =	sst s4  }
0xd: {  	[smem:$0x3FB2] =	sst s5  }
0xe: {  	[smem:$0x3FB3] =	sst s6  }
0xf: {  	[smem:$0x3FB4] =	sst s7  }
0x10: {  	[smem:$0x3FB5] =	sst s8  }
0x11: {  	[smem:$0x3FB6] =	sst s9;
	s0 =	simm.s32 @!p0 $0x0  }
0x12: {  	s1 =	sld [smem:$0x3F9C];
	s0 =	simm.s32 @p0 $0x1  }
0x13: {  	[smem:$0x3FB7] =	sst s0;
	s0 =	simm.s32 @!p1 $0x0  }
0x14: {  	s2 =	sld [smem:$0x3F9B];
	s0 =	simm.s32 @p1 $0x1  }
0x15: {  	[smem:$0x3FB8] =	sst s0;
	s0 =	simm.s32 @!p2 $0x0  }
0x16: {  	s3 =	sld [smem:$0x3FDB];
	s0 =	simm.s32 @p2 $0x1  }
0x17: {  	s4 =	simm.s32 $0x1BF5;
	[smem:$0x3FBA] =	sst s0  }
0x18: {  	s0 =	sld [smem:$0x3F9D];
	_ =	swait.ge [sflag:s4], $0x0  }
0x19: {  	s7 =	sld [smem:$0x3F9E]  }
0x1a: {  	s8 =	sadd.s32 $0xFFFFE003, lr  }
0x1b: {  	s9 =	sadd.s32 $0xFFFFFEF7, lr;
	s5 =	simm.s32 $0xFFFFFFFF;
	p2 =	slt.u32 s8, $0xFFFFF086  }
0x1c: {  	p1 =	slt.u32 s9, $0xF7A;
	s5 =	simm.s32 @!p2 $0x0  }
0x1d: {  	s5 =	simm.s32 @p1 $0x1;
	p0 =	seq.s32 s7, s2  }
0x1e: {  	s7 =	smul.u32 @!p0 $0xF7A, s2;
	p2 =	seq.s32 @!p0 s5, $0x0  }
0x1f: {  	s9 =	smul.u32 $0xF7A, s1;
	s8 =	simm.s32 @!p0 $0x1BF5;
	p2 =	por !p2, p0  }
0x20: {  	[sflag:s8] =	ssyncset.s32 @!p0 $0xFFFFF086;
	s6 =	sadd.s32 @!p0 s3, s7;
	s7 =	simm.s32 @!p0 $0x108  }
0x21: {  	s3 =	sadd.s32 s3, s9;
	s6 =	sadd.s32 @!p0 $0x88, s6;
	s7 =	simm.s32 @p2 $0x1082  }
0x22: {  	[simem:s7], [sflag:s8] =	dma.local @!p0 [hbm:s6], $0xF7A  }
0x23: {  	s9 =	sor.u32 $0xD0000000, s2;
	s6 =	simm.s32 $0x108;
	_ =	swait.ge @!p0 [sflag:s8], $0x0  }
0x24: {  	s3 =	sadd.s32 $0x88, s3;
	s6 =	simm.s32 @!p1 $0x1082;
	[sflag:s4] =	ssyncset.s32 $0xFFFFF086  }
0x25: {  	[simem:s6], [sflag:s4] =	dma.local [hbm:s3], $0xF7A  }
0x26: {  	[smem:$0x3F9E] =	sst s1;
	(tag) =	ssettag s2;
	_ =	strace s9  }
0x27: {  	s1 =	sld [smem:$0x3FAE]  }
0x28: {  	s2 =	sld [smem:$0x3FAF]  }
0x29: {  	s4 =	sld [smem:$0x3FB1]  }
0x2a: {  	p0 =	seq.s32 s5, $0x0;
	s5 =	sld [smem:$0x3FB2]  }
0x2b: {  	s6 =	sld [smem:$0x3FB3]  }
0x2c: {  	s7 =	sld [smem:$0x3FB4]  }
0x2d: {  	s3 =	simm.s32 $0x108;
	s8 =	sld [smem:$0x3FB5]  }
0x2e: {  	s3 =	simm.s32 @!p0 $0x1082;
	s9 =	sld [smem:$0x3FB6]  }
0x2f: {  	lr =	sadd.s32 s0, s3;
	s0 =	sld [smem:$0x3FAD]  }
0x30: {  	s3 =	sld [smem:$0x3FB0]  }
0x31: {  	[smem:$0x3FB9] =	sst s10  }
0x32: {  	s10 =	sld [smem:$0x3FB7];
	_ =	sdelay $0x3  }
0x33: {  	p0 =	seq.s32 s10, $0x1;
	s10 =	sld [smem:$0x3FB9];
	_ =	sdelay $0x3  }
0x34: {  	[smem:$0x3FB9] =	sst s10  }
0x35: {  	s10 =	sld [smem:$0x3FB8];
	_ =	sdelay $0x3  }
0x36: {  	p1 =	seq.s32 s10, $0x1;
	s10 =	sld [smem:$0x3FB9];
	_ =	sdelay $0x3  }
0x37: {  	[smem:$0x3FB9] =	sst s10  }
0x38: {  	s10 =	sld [smem:$0x3FBA]  }
0x39: {  	_ = 	snop;
	(pc) =	sbr.ind lr, $3  }
0x3a: {  	_ = 	snop  }
0x3b: {  	_ = 	snop  }
0x3c: {  	p2 =	seq.s32 s10, $0x1;
	s10 =	sld [smem:$0x3FB9]  }
0x3d: {  	_ =	shalt  }
0x3e: {  	_ =	shalt  }
0x3f: {  	_ =	shalt  }
0x40: {  	_ =	shalt  }
0x41: {  	_ =	shalt  }
0x42: {  	_ =	shalt  }
0x43: {  	_ =	shalt  }
0x44: {  	_ =	shalt  }
0x45: {  	_ =	shalt  }
0x46: {  	_ =	shalt  }
0x47: {  	_ =	shalt  }
0x48: {  	_ =	shalt  }
0x49: {  	_ =	shalt  }
0x4a: {  	_ =	shalt  }
0x4b: {  	_ =	shalt  }
0x4c: {  	_ =	shalt  }
0x4d: {  	_ =	shalt  }
0x4e: {  	_ =	shalt  }
0x4f: {  	_ =	shalt  }
0x50: {  	_ =	shalt  }
0x51: {  	_ =	shalt  }
0x52: {  	_ =	shalt  }
0x53: {  	_ =	shalt  }
0x54: {  	_ =	shalt  }
0x55: {  	_ =	shalt  }
0x56: {  	_ =	shalt  }
0x57: {  	_ =	shalt  }
0x58: {  	_ =	shalt  }
0x59: {  	_ =	shalt  }
0x5a: {  	_ =	shalt  }
0x5b: {  	_ =	shalt  }
0x5c: {  	_ =	shalt  }
0x5d: {  	_ =	shalt  }
0x5e: {  	_ =	shalt  }
0x5f: {  	_ =	shalt  }
0x60: {  	_ =	shalt  }
0x61: {  	_ =	shalt  }
0x62: {  	_ =	shalt  }
0x63: {  	_ =	shalt  }
0x64: {  	_ =	shalt  }
0x65: {  	_ =	shalt  }
0x66: {  	_ =	shalt  }
0x67: {  	_ =	shalt  }
0x68: {  	_ =	shalt  }
0x69: {  	_ =	shalt  }
0x6a: {  	_ =	shalt  }
0x6b: {  	_ =	shalt  }
0x6c: {  	_ =	shalt  }
0x6d: {  	_ =	shalt  }
0x6e: {  	_ =	shalt  }
0x6f: {  	_ =	shalt  }
0x70: {  	_ =	shalt  }
0x71: {  	_ =	shalt  }
0x72: {  	_ =	shalt  }
0x73: {  	_ =	shalt  }
0x74: {  	_ =	shalt  }
0x75: {  	_ =	shalt  }
0x76: {  	_ =	shalt  }
0x77: {  	_ =	shalt  }
0x78: {  	_ =	shalt  }
0x79: {  	_ =	shalt  }
0x7a: {  	_ =	shalt  }
0x7b: {  	_ =	shalt  }
0x7c: {  	_ =	shalt  }
0x7d: {  	_ =	shalt  }
0x7e: {  	_ =	shalt  }
0x7f: {  	_ =	shalt  }
0x80: {  	_ =	shalt  }
0x81: {  	_ =	shalt  }
0x82: {  	_ =	shalt  }
0x83: {  	_ =	shalt  }
0x84: {  	_ =	shalt  }
0x85: {  	_ =	shalt  }
0x86: {  	_ =	shalt  }
0x87: {  	_ =	shalt  }
.Lfunc_end0:
.L_simem_size_0:
called_computation_lowered:
.L_overlay_start_0:
0x88: {  	s2 =	sld [smem:$0x3FD9]  }
0x89: {  	s3 =	sld [smem:$0x3FFE];
	_ =	sdelay $0x1  }
0x8a: {  	s1 =	srdreg.scid  }
0x8b: {  	s0 =	sand.u32 $0x1, s1  }
0x8c: {  	s17 =	sshll.u32 s0, $0xA;
	s2 =	sadd.s32 s3, s2  }
0x8d: {  	s2 =	sadd.s32 s2, s17  }
0x8e: {  	[smem:$0x3FC5] =	sst s2  }
0x8f: {  	_ = 	snop  }
0x90: {  	s2 =	sld [smem:$0x3FC7];
	(tm) =	ssettm $0x1  }
0x91: {  	s18 =	sld [smem:$0x3FFB];
	_ =	sdelay $0x3  }
0x92: {  	_ =	strace s18  }
0x93: {  	s3 =	sld [smem:$0x3FFC];
	_ =	sdelay $0x3  }
0x94: {  	_ =	strace s3  }
0x95: {  	s3 =	sld [smem:$0x3FFD];
	_ =	sdelay $0x3  }
0x96: {  	_ =	strace s3  }
0x97: {  	_ =	strace $0x8FFFFFFF  }
0x98: {  	s19 =	sld [smem:$0x3FDB];
	_ =	sdelay $0x1  }
0x99: {  	s4 =	simm.s32 $_scs_section_size  }
0x9a: {  	s5 =	simm.s32 $_size__tile_overlayer_lowered;
	s6 =	simm.s32 $_tile_overlayer_lowered  }
0x9b: {  	s22 =	simm.s32 $0x1BFF;
	s21 =	sshll.u32 s6, $0x1;
	s3 =	sadd.s32 s4, s19  }
0x9c: {  	s7 =	simm.s32 $0x0;
	s20 =	sshll.u32 s5, $0x1;
	s5 =	sadd.s32 s21, s3  }
0x9d: {  	[timem:s7], [sflag:s22] =	dma.local [hbm:s5], s20  }
0x9e: {  	_ =	swait.ge [sflag:s22], s20  }
0x9f: {  	s4 =	ssub.s32 $0x0, s20;
	[sflag:s22] =	ssyncset.done $0x0  }
0xa0: {  	[sflag:s22] =	ssyncadd.s32 s4;
	_ =	sdelay $0x1  }
0xa1: {  	s23 =	simm.s32 $0x1B8B  }
0xa2: {  	_ =	swait.ge [sflag:s23], $0x1  }
0xa3: {  	[sflag:s23] =	ssyncset.done $0x0  }
0xa4: {  	s25 =	simm.s32 $0x1B8E;
	s24 =	sld [smem:$0x3FFE];
	[sflag:s23] =	ssyncadd.s32 $0xFFFFFFFF  }
0xa5: {  	s26 =	simm.s32 $execute0_lowered;
	[smem:$0x3FD2] =	sst s25  }
0xa6: {  	s5 =	sshll.u32 s26, $0x1;
	_ =	strace $0x80000046;
	[dreg:$0x1] =	wrdreg $0xFFFFFFFF  }
0xa7: {  	s28 =	simm.s32 $_size_execute0_lowered;
	s3 =	sadd.s32 s3, s5;
	[dreg:$0x0] =	wrdreg $0x0  }
0xa8: {  	s5 =	sshll.u32 s28, $0x1;
	[dreg:$0x2] =	wrdreg s3  }
0xa9: {  	[dreg:$0x3] =	wrdreg s5  }
0xaa: {  	[dreg:$0x4] =	wrdreg $0xC0  }
0xab: {  	_ =	task [dreg:s7], $0x5FFFF  }
0xac: {  	[dreg:$0x1] =	wrdreg $0xFFFFFFFF  }
0xad: {  	[dreg:$0x0] =	wrdreg $0x60  }
0xae: {  	[dreg:$0x2] =	wrdreg s24  }
0xaf: {  	[dreg:$0x3] =	wrdreg s2  }
0xb0: {  	[dreg:$0x4] =	wrdreg $0x9  }
0xb1: {  	_ =	task.clear_ibuf [dreg:s7], $0x5FFFF;
	_ =	strace $0x90000046  }
0xb2: {  	s29 =	simm.s32 $0x9;
	_ =	strace $0x80000048  }
0xb3: {  	_ =	swait.ge [sflag:s29], $0x1  }
0xb4: {  	[sflag:s29] =	ssyncadd.s32 $0xFFFFFFFF  }
0xb5: {  	_ =	strace $0x90000048  }
0xb6: {  	_ =	sfence  }
0xb7: {  	s30 =	sld [smem:$0x0];
	_ =	sdelay $0x2  }
0xb8: {  	s31 =	sshll.u32 s1, $0xD;
	s1 =	sshrl.u32 s1, $0x2  }
0xb9: {  	s3 =	sand.u32 $0x4000, s31;
	s1 =	sadd.s32 s1, s30  }
0xba: {  	s0 =	sor.u32 s3, s0;
	s1 =	sshll.u32 s1, $0x11  }
0xbb: {  	s0 =	sor.u32 s1, s0  }
0xbc: {  	s0 =	sadd.s32 $0x8F2B, s0  }
0xbd: {  	[sflag:s0] =	ssyncadd.remote.s32 $0x1  }
0xbe: {  	_ =	sfence.sel $0xFFFF  }
0xbf: {  	[dreg:$0x0] =	wrdreg $0xFFFFFFFF;
	(pc) =	sbr.abs _section_cstart, $3  }
0xc0: {  	[dreg:$0x1] =	wrdreg $0xFFFFFFFF  }
0xc1: {  	_ =	task.clear_ibuf [dreg:s7], $0x2FFFF;
	_ =	strace $0x9FFFFFFF  }
0xc2: {  	(tm) =	ssettm $0x7FFFFFFF  }
0xc3: {  	_ =	shalt  }
tec
execute0_lowered:
.L_overlay_start_1:
0x0: {  	(tag) =	ssettag $0x1  }
0x1: {  	s1 =	srdreg.scid;
	s2 =	rddreg [dreg:$0x0]  }
0x2: {  	s0 =	stileid.u32;
	s6 =	rddreg [dreg:$0x1];
	s3 =	simm.s32 $0x0  }
0x3: {  	s14 =	simm.s32 $0x1980;
	s16 =	simm.s32 $0x1A80;
	s17 =	simm.s32 $0x0  }
0x4: {  	s4 =	sand.u32 $0x1, s1;
	s29 =	sshll.u32 s0, $0x1;
	s1 =	rddreg [dreg:$0x2]  }
0x5: {  	[smem:$0x7FF] =	sst s3;
	s11 =	smul.u32 $0x186A, s0;
	s5 =	sor.u32 s4, s29  }
0x6: {  	_ =	strace $0x80000047;
	s9 =	ssub.s32 $0x2, s4;
	s13 =	smul.u32 $0xC35, s4  }
0x7: {  	s12 =	smul.u32 $0xC35, s5;
	s5 =	sshll.u32 s5, $0x4;
	s30 =	sshrl.u32 s9, $0x1  }
0x8: {  	s10 =	sadd.s32 s5, s2;
	s9 =	ssub.s32 s9, s30;
	s31 =	sadd.s32 s13, s11  }
0x9: {  	s11 =	simm.s32 $0x1;
	s13 =	simm.s32 $0x1900;
	s7 =	sand.u32 $0x1FFF0, s12  }
0xa: {  	s15 =	sadd.s32 $0xC35, s12;
	s9 =	smax.u32 s9, $0x1;
	s7 =	sshrl.u32 s7, $0x3  }
0xb: {  	v0 =	vmov s12;
	s12 =	simm.s32 $0xC80;
	v1 =	vmov s15;
	s15 =	simm.s32 $0x1A00;
	s8 =	sadd.s32 s7, s2  }
0xc: {  	s5 =	sadd.s32 s6, s7;
	s6 =	sadd.s32 $0x10, s2;
	s7 =	sadd.s32 $0x3400, s10  }
0xd: {  	v2 =	vimm.f32 $0.0e+00;
	v3 =	vlaneseq.u32;
	s4 =	sadd.s32 $0x200, s8;
	s8 =	sadd.s32 $0x3600, s10;
	s10 =	sand.u32 $0x3FFF0, s31  }
.LBB2_1:
0xe: {  	[tilespmem:s3], [sflag:$0x1] =	stream.linear.gather [hbm4b:s4+s3], $0xC40, $0x38;
	[tilespmem:$0x1B00] =	vst v63  }
0xf: {  	_ =	swait.ge [sflag:s11], $0xC40  }
0x10: {  	[sflag:s11] =	ssyncset.done $0x0  }
0x11: {  	[sflag:s11] =	ssyncadd.s32 $0xFFFFF3C0  }
0x12: {  	[tilespmem:s12], [sflag:$0x1] =	stream.linear.gather [hbm4b:s5+s3], $0xC40, $0x38;
	[tilespmem:$0x1B00] =	vst v63  }
0x13: {  	_ =	swait.ge [sflag:s11], $0xC40  }
0x14: {  	[sflag:s11] =	ssyncset.done $0x0  }
0x15: {  	[sflag:s11] =	ssyncadd.s32 $0xFFFFF3C0  }
0x16: {  	[tilespmem:s13], [sflag:$0x1] =	stream.linear.gather [hbm4b:s2+s3], $0x10, $0x38;
	[tilespmem:$0x1B00] =	vst v63  }
0x17: {  	_ =	swait.ge [sflag:s11], $0x10  }
0x18: {  	[sflag:s11] =	ssyncset.done $0x0  }
0x19: {  	[sflag:s11] =	ssyncadd.s32 $0xFFFFFFF0  }
0x1a: {  	[tilespmem:s14], [sflag:$0x1] =	stream.linear.gather [hbm4b:s6+s3], $0x10, $0x38;
	[tilespmem:$0x1B00] =	vst v63  }
0x1b: {  	_ =	swait.ge [sflag:s11], $0x10  }
0x1c: {  	[sflag:s11] =	ssyncset.done $0x0  }
0x1d: {  	[sflag:s11] =	ssyncadd.s32 $0xFFFFFFF0  }
0x1e: {  	[tilespmem:$0x1A00] =	vst v2  }
0x1f: {  	s18 =	simm.s32 $0x20;
	[tilespmem:$0x1A80] =	vst v2  }
0x20: {  	v6 =	vld [tilespmem:s18+$0xFFFFFFE0];
	_ =	sdelay $0x4  }
0x21: {  	v5 =	vld [tilespmem:$0x1980];
	v4 =	vadd.f32 $1.000000050e-03, v6;
	_ =	sdelay $0x1  }
0x22: {  	(erf) = vrcp.f32 v4  }
0x23: {  	v4 =	vld [tilespmem:$0x1900];
	_ =	sdelay $0x1  }
0x24: {  	v5 =	vtrunc.f32 v5  }
0x25: {  	s20 =	sadd.s32 $0x0, s10;
	v5 =	vcvt.f32.s32 v5  }
0x26: {  	s19 =	simm.s32 $0xCA0;
	v7 =	vor.u32 s20, v3  }
0x27: {  	vm2 =	vge.u32 v7, v0;
	v8 =	vld [tilespmem:s19+$0xFFFFFFE0];
	vm1 =	vle.s32 v7, v5;
	vm0 =	veq.f32 v6, v4  }
0x28: {  	vm9 =	vlt.u32 v7, v1;
	vm3 =	vlt.f32 v6, v4;
	v6 =	vld [tilespmem:$0x1A00];
	vm0 =	vmand vm1, vm0  }
0x29: {  	v7 =	vld [tilespmem:$0x1A80];
	vm1 =	vmand vm2, vm9;
	vm0 =	vmor vm3, vm0  }
0x2a: {  	vm0 =	vmand vm1, vm0;
	v9 =	vpop (erf)  }
0x2b: {  	v9 =	vnsel vm0, $0x0, v9  }
0x2c: {  	v8 =	vmul.f32 v9, v8  }
0x2d: {  	v6 =	vadd.f32 v9, v6  }
0x2e: {  	v7 =	vadd.f32 v8, v7  }
0x2f: {  	[tilespmem:$0x1A00] =	vst v6  }
0x30: {  	[tilespmem:$0x1A80] =	vst v7  }
0x31: {  	v6 =	vld [tilespmem:s18+$0xFFFFFFF0];
	_ =	sdelay $0x4  }
0x32: {  	v7 =	vadd.f32 $1.000000050e-03, v6;
	_ =	sdelay $0x1  }
0x33: {  	(erf) = vrcp.f32 v7;
	_ =	sdelay $0x3  }
0x34: {  	s21 =	sadd.s32 $0x10, s20  }
0x35: {  	v7 =	vor.u32 s21, v3  }
0x36: {  	v8 =	vld [tilespmem:s19+$0xFFFFFFF0];
	vm11 =	veq.f32 v6, v4;
	vm4 =	vlt.f32 v6, v4;
	vm12 =	vle.s32 v7, v5  }
0x37: {  	v6 =	vld [tilespmem:$0x1A00];
	vm10 =	vge.u32 v7, v0;
	vm13 =	vlt.u32 v7, v1;
	vm1 =	vmand vm12, vm11  }
0x38: {  	v7 =	vld [tilespmem:$0x1A80];
	vm0 =	vmand vm10, vm13;
	vm1 =	vmor vm4, vm1  }
0x39: {  	vm0 =	vmand vm0, vm1;
	v61 =	vpop (erf)  }
0x3a: {  	v9 =	vnsel vm0, $0x0, v61  }
0x3b: {  	v8 =	vmul.f32 v9, v8  }
0x3c: {  	v6 =	vadd.f32 v9, v6  }
0x3d: {  	v7 =	vadd.f32 v8, v7  }
0x3e: {  	[tilespmem:$0x1A00] =	vst v6  }
0x3f: {  	[tilespmem:$0x1A80] =	vst v7  }
0x40: {  	v6 =	vld [tilespmem:s18+$0x0];
	_ =	sdelay $0x4  }
0x41: {  	v7 =	vadd.f32 $1.000000050e-03, v6;
	_ =	sdelay $0x1  }
0x42: {  	(erf) = vrcp.f32 v7;
	_ =	sdelay $0x3  }
0x43: {  	s31 =	sadd.s32 $0x20, s20  }
0x44: {  	v7 =	vor.u32 s31, v3  }
0x45: {  	v8 =	vld [tilespmem:s19+$0x0];
	vm15 =	veq.f32 v6, v4;
	vm10 =	vlt.f32 v6, v4;
	vm8 =	vle.s32 v7, v5  }
0x46: {  	v6 =	vld [tilespmem:$0x1A00];
	vm14 =	vge.u32 v7, v0;
	vm9 =	vlt.u32 v7, v1;
	vm1 =	vmand vm8, vm15  }
0x47: {  	v7 =	vld [tilespmem:$0x1A80];
	vm0 =	vmand vm14, vm9;
	vm1 =	vmor vm10, vm1  }
0x48: {  	vm0 =	vmand vm0, vm1;
	v62 =	vpop (erf)  }
0x49: {  	v9 =	vnsel vm0, $0x0, v62  }
0x4a: {  	v8 =	vmul.f32 v9, v8  }
0x4b: {  	v6 =	vadd.f32 v9, v6  }
0x4c: {  	v7 =	vadd.f32 v8, v7  }
0x4d: {  	[tilespmem:$0x1A00] =	vst v6  }
0x4e: {  	[tilespmem:$0x1A80] =	vst v7  }
0x4f: {  	v6 =	vld [tilespmem:s18+$0x10];
	_ =	sdelay $0x4  }
0x50: {  	v7 =	vadd.f32 $1.000000050e-03, v6;
	_ =	sdelay $0x1  }
0x51: {  	(erf) = vrcp.f32 v7;
	_ =	sdelay $0x3  }
0x52: {  	s20 =	sadd.s32 $0x30, s20  }
0x53: {  	v8 =	vld [tilespmem:$0x1A00];
	v7 =	vor.u32 s20, v3  }
0x54: {  	v63 =	vld [tilespmem:s19+$0x10];
	vm12 =	veq.f32 v6, v4;
	vm15 =	vlt.f32 v6, v4;
	vm13 =	vle.s32 v7, v5  }
0x55: {  	vm11 =	vge.u32 v7, v0;
	vm14 =	vlt.u32 v7, v1;
	vm1 =	vmand vm13, vm12  }
0x56: {  	v6 =	vld [tilespmem:$0x1A80];
	vm0 =	vmand vm11, vm14;
	vm1 =	vmor vm15, vm1  }
0x57: {  	vm0 =	vmand vm0, vm1;
	v7 =	vpop (erf)  }
0x58: {  	v7 =	vnsel vm0, $0x0, v7  }
0x59: {  	v8 =	vadd.f32 v7, v8;
	v7 =	vmul.f32 v7, v63;
	_ =	sdelay $0x1  }
0x5a: {  	s20 =	simm.s32 $0x40;
	[tilespmem:$0x1A00] =	vst v8;
	v6 =	vadd.f32 v7, v6  }
.LBB2_2:
0x5b: {  	_ = 	snop  }
0x5c: {  	p0 =	sne.s32 s20, $0xC00;
	s18 =	sadd.s32 $0x40, s18;
	s19 =	sadd.s32 $0x40, s19;
	[tilespmem:$0x1A80] =	vst v6  }
0x5d: {  	s21 =	smov.u32 s20;
	s20 =	sadd.s32 $0x40, s20;
	v6 =	vld [tilespmem:s18+$0xFFFFFFE0];
	_ =	sdelay $0x2  }
0x5e: {  	s21 =	sadd.s32 s21, s10  }
0x5f: {  	v7 =	vor.u32 s21, v3;
	s22 =	sadd.s32 $0x10, s21;
	s23 =	sadd.s32 $0x20, s21;
	s21 =	sadd.s32 $0x30, s21  }
0x60: {  	vm1 =	vle.s32 v7, v5;
	vm0 =	veq.f32 v6, v4;
	v8 =	vadd.f32 $1.000000050e-03, v6  }
0x61: {  	vm2 =	vge.u32 v7, v0;
	vm3 =	vlt.f32 v6, v4;
	vm0 =	vmand vm1, vm0  }
0x62: {  	vm1 =	vlt.u32 v7, v1;
	vm3 =	vmor vm3, vm0;
	(erf) = vrcp.f32 v8  }
0x63: {  	v6 =	vor.u32 s22, v3;
	v7 =	vor.u32 s23, v3;
	vm4 =	vmand vm2, vm1  }
0x64: {  	vm0 =	vge.u32 v6, v0;
	vm1 =	vlt.u32 v6, v1;
	vm5 =	vge.u32 v7, v0  }
0x65: {  	v8 =	vor.u32 s21, v3;
	vm2 =	vmand vm0, vm1;
	vm0 =	vlt.u32 v7, v1  }
0x66: {  	vm1 =	vmand vm5, vm0;
	vm0 =	vge.u32 v8, v0;
	vm5 =	vlt.u32 v8, v1  }
0x67: {  	vm0 =	vmand vm0, vm5;
	v9 =	vld [tilespmem:$0x1A00]  }
0x68: {  	v10 =	vld [tilespmem:s19+$0xFFFFFFE0];
	_ =	sdelay $0x1  }
0x69: {  	v11 =	vld [tilespmem:$0x1A80]  }
0x6a: {  	vm3 =	vmand vm4, vm3;
	v12 =	vpop (erf)  }
0x6b: {  	v12 =	vnsel vm3, $0x0, v12  }
0x6c: {  	v9 =	vadd.f32 v12, v9;
	v10 =	vmul.f32 v12, v10;
	_ =	sdelay $0x1  }
0x6d: {  	v10 =	vadd.f32 v10, v11  }
0x6e: {  	[tilespmem:$0x1A00] =	vst v9  }
0x6f: {  	[tilespmem:$0x1A80] =	vst v10  }
0x70: {  	v9 =	vld [tilespmem:s18+$0xFFFFFFF0];
	_ =	sdelay $0x4  }
0x71: {  	vm4 =	vle.s32 v6, v5;
	vm3 =	veq.f32 v9, v4;
	v6 =	vadd.f32 $1.000000050e-03, v9  }
0x72: {  	vm5 =	vlt.f32 v9, v4;
	vm3 =	vmand vm4, vm3  }
0x73: {  	vm3 =	vmor vm5, vm3;
	(erf) = vrcp.f32 v6;
	_ =	sdelay $0x4  }
0x74: {  	v6 =	vld [tilespmem:$0x1A00]  }
0x75: {  	v9 =	vld [tilespmem:s19+$0xFFFFFFF0];
	_ =	sdelay $0x1  }
0x76: {  	v10 =	vld [tilespmem:$0x1A80]  }
0x77: {  	vm2 =	vmand vm2, vm3;
	v11 =	vpop (erf)  }
0x78: {  	v11 =	vnsel vm2, $0x0, v11  }
0x79: {  	v6 =	vadd.f32 v11, v6;
	v9 =	vmul.f32 v11, v9;
	_ =	sdelay $0x1  }
0x7a: {  	[tilespmem:$0x1A00] =	vst v6;
	v6 =	vadd.f32 v9, v10;
	_ =	sdelay $0x1  }
0x7b: {  	[tilespmem:$0x1A80] =	vst v6  }
0x7c: {  	v6 =	vld [tilespmem:s18+$0x0];
	_ =	sdelay $0x4  }
0x7d: {  	vm3 =	vle.s32 v7, v5;
	vm2 =	veq.f32 v6, v4;
	v7 =	vadd.f32 $1.000000050e-03, v6  }
0x7e: {  	vm4 =	vlt.f32 v6, v4;
	vm2 =	vmand vm3, vm2  }
0x7f: {  	vm2 =	vmor vm4, vm2;
	(erf) = vrcp.f32 v7;
	_ =	sdelay $0x4  }
0x80: {  	v6 =	vld [tilespmem:$0x1A00]  }
0x81: {  	v7 =	vld [tilespmem:s19+$0x0];
	_ =	sdelay $0x1  }
0x82: {  	v9 =	vld [tilespmem:$0x1A80]  }
0x83: {  	vm1 =	vmand vm1, vm2;
	v10 =	vpop (erf)  }
0x84: {  	v10 =	vnsel vm1, $0x0, v10  }
0x85: {  	v6 =	vadd.f32 v10, v6;
	v7 =	vmul.f32 v10, v7;
	_ =	sdelay $0x1  }
0x86: {  	[tilespmem:$0x1A00] =	vst v6;
	v6 =	vadd.f32 v7, v9  }
0x87: {  	v7 =	vld [tilespmem:$0x1A00]  }
0x88: {  	[tilespmem:$0x1A80] =	vst v6  }
0x89: {  	v6 =	vld [tilespmem:s18+$0x10]  }
0x8a: {  	v9 =	vld [tilespmem:s19+$0x10]  }
0x8b: {  	v10 =	vld [tilespmem:$0x1A80];
	_ =	sdelay $0x2  }
0x8c: {  	vm2 =	vle.s32 v8, v5;
	vm1 =	veq.f32 v6, v4;
	v8 =	vadd.f32 $1.000000050e-03, v6  }
0x8d: {  	vm3 =	vlt.f32 v6, v4;
	vm1 =	vmand vm2, vm1  }
0x8e: {  	vm1 =	vmor vm3, vm1;
	(erf) = vrcp.f32 v8;
	_ =	sdelay $0x8  }
.Ltmp0:
0x8f: {  	vm0 =	vmand vm0, vm1;
	v6 =	vpop (erf);
	(pc) =	sbr.rel @p0 .LBB2_2-.Ltmp0, $3  }
0x90: {  	v6 =	vnsel vm0, $0x0, v6  }
0x91: {  	v7 =	vadd.f32 v6, v7;
	v6 =	vmul.f32 v6, v9;
	_ =	sdelay $0x1  }
0x92: {  	[tilespmem:$0x1A00] =	vst v7;
	v6 =	vadd.f32 v6, v10  }
0x93: {  	_ = 	snop  }
0x94: {  	[tilespmem:$0x1A80] =	vst v6  }
0x95: {  	[hbm4b:s7+s3] =	stream.linear.scatter [tilespmem:s15], [sflag:$0x1], $0x80, $0x38;
	[tilespmem:$0x1B00] =	vst v63  }
0x96: {  	s17 =	sadd.s32 $0x1, s17;
	_ =	swait.ge [sflag:s11], $0x80  }
0x97: {  	p0 =	sne.s32 s17, s9;
	[sflag:s11] =	ssyncset.done $0x0  }
.Ltmp1:
0x98: {  	[sflag:s11] =	ssyncadd.s32 $0xFFFFFF80;
	(pc) =	sbr.rel @p0 .LBB2_1-.Ltmp1, $4  }
0x99: {  	[hbm4b:s8+s3] =	stream.linear.scatter [tilespmem:s16], [sflag:$0x1], $0x80, $0x38;
	[tilespmem:$0x1B00] =	vst v63  }
0x9a: {  	_ =	swait.ge [sflag:s11], $0x80  }
0x9b: {  	[sflag:s11] =	ssyncset.done $0x0  }
0x9c: {  	[sflag:s11] =	ssyncadd.s32 $0xFFFFFF80  }
0x9d: {  	_ =	sfence.sel $0x180000  }
0x9e: {  	[bflag:$0x0] =	sbarrier.arrive $0xFFFF  }
0x9f: {  	p0 =	sne.s32 s0, $0x0;
	_ =	strace $0x90000047  }
0xa0: {  	s0 =	sadd.s32 @!p0 $0x100000, s1;
	[bflag:$0x2] =	sbarrier.arrive $0xFFFF  }
0xa1: {  	[sflag:s0] =	ssyncadd.tile.s32 @!p0 $0x1;
	_ =	shalt  }
.Lfunc_end2:
_tile_overlayer_lowered:
.L_overlay_start_2:
0xa2: {  	(tag) =	ssettag $0x2  }
0xa3: {  	s0 =	rddreg [dreg:$0x0];
	s2 =	stileid.u32  }
0xa4: {  	s1 =	rddreg [dreg:$0x1];
	p0 =	sne.s32 s2, $0x0  }
0xa5: {  	s3 =	rddreg [dreg:$0x2];
	[bflag:$0x3] =	sbarrier.arrive $0xFFFF;
	s2 =	simm.s32 @!p0 $0x1C01  }
0xa6: {  	[timem:s3], [sflag:s2] =	dma.local @!p0 [hbm:s0], s1  }
0xa7: {  	s0 =	simm.s32 @!p0 $0x1  }
0xa8: {  	_ =	swait.ge @!p0 [sflag:s0], s1  }
0xa9: {  	s1 =	ssub.s32 @!p0 $0x0, s1;
	[sflag:s0] =	ssyncset.done @!p0 $0x0  }
0xaa: {  	[sflag:s0] =	ssyncadd.s32 @!p0 s1  }
0xab: {  	[bflag:$0x3] =	sbarrier.arrive $0xFFFF  }
0xac: {  	_ =	shalt  }

</sc_bundles>
